<compile_context>
chip_gen: v7x
topology: tpu7x:2x2x1
jax: 0.10.2.dev20260603
libtpu: 0.0.44.dev20260713+nightly
codegen_flags: <defaults>
</compile_context>

<pallas_src>
import jax
import jax.numpy as jnp
from jax import lax
from jax.experimental import pallas as pl
from jax.experimental.pallas import tpu as pltpu
from jax.experimental.pallas import tpu_sc as plsc

NC = 2
NS = 16
CW = 8
CHUNK = 80
EPS = 1e-5
G = 64
_PREC = lax.Precision.HIGHEST



def _sc_agg(table, src, dst, ones, zf, zcf, with_counts):
    n2, dh = table.shape
    n = n2 // NC
    e = src.shape[0]
    ept = e // NS
    n_chunks = ept // CHUNK
    assert ept % CHUNK == 0
    rpt = (n // NS) // 8 * 8
    tail = n - NS * rpt
    assert tail % 8 == 0 and tail <= rpt

    out_type = [jax.ShapeDtypeStruct((n2, dh), jnp.float32)]
    scratch = [
        pltpu.VMEM((CHUNK,), jnp.int32),
        pltpu.VMEM((CHUNK,), jnp.int32),
        pltpu.VMEM((CHUNK, dh), jnp.float32),
        pltpu.VMEM((rpt, dh), jnp.float32),
        pltpu.VMEM_SHARED((n, dh), jnp.float32),
        pltpu.SemaphoreType.DMA,
    ]
    if with_counts:
        out_type.append(jax.ShapeDtypeStruct((n, CW), jnp.float32))
        scratch += [
            pltpu.VMEM((CHUNK, CW), jnp.float32),
            pltpu.VMEM((rpt, CW), jnp.float32),
            pltpu.VMEM_SHARED((n, CW), jnp.float32),
        ]

    mesh = plsc.VectorSubcoreMesh(core_axis_name="c", subcore_axis_name="s",
                                  num_cores=NC, num_subcores=NS)

    def body(*refs):
        if with_counts:
            (table_h, src_h, dst_h, ones_h, zf_h, zcf_h, acc_o, cnt_o,
             idx_v, dst_v, rows_v, zbuf, acc_sh, sem,
             ones_v, cbuf, cnt_sh) = refs
        else:
            (table_h, src_h, dst_h, ones_h, zf_h, zcf_h, acc_o,
             idx_v, dst_v, rows_v, zbuf, acc_sh, sem) = refs
        c = lax.axis_index("c")
        s = lax.axis_index("s")
        r0 = s * rpt

        pltpu.sync_copy(zf_h, zbuf)
        pltpu.sync_copy(zbuf, acc_sh.at[pl.ds(r0, rpt)])
        if with_counts:
            pltpu.sync_copy(ones_h, ones_v)
            pltpu.sync_copy(zcf_h, cbuf)

            @pl.when(c == 0)
            def _():
                pltpu.sync_copy(cbuf, cnt_sh.at[pl.ds(r0, rpt)])
        if tail:
            @pl.when(s == NS - 1)
            def _():
                pltpu.sync_copy(zbuf.at[pl.ds(0, tail)],
                                acc_sh.at[pl.ds(NS * rpt, tail)])
                if with_counts:
                    @pl.when(c == 0)
                    def _():
                        pltpu.sync_copy(cbuf.at[pl.ds(0, tail)],
                                        cnt_sh.at[pl.ds(NS * rpt, tail)])
        plsc.subcore_barrier()

        row_off = c * n

        def step(i, carry):
            base = s * ept + i * CHUNK
            pltpu.sync_copy(src_h.at[pl.ds(base, CHUNK)], idx_v)
            pltpu.sync_copy(dst_h.at[pl.ds(base, CHUNK)], dst_v)
            for k in range(CHUNK // 16):
                sl = pl.ds(k * 16, 16)
                idx_v[sl] = idx_v[sl] + row_off
            pltpu.async_copy(table_h.at[idx_v], rows_v, sem).wait()
            pltpu.sync_copy(rows_v, acc_sh.at[dst_v], add=True)
            if with_counts:
                @pl.when(c == 0)
                def _():
                    pltpu.sync_copy(ones_v, cnt_sh.at[dst_v], add=True)
            return carry
        lax.fori_loop(0, n_chunks, step, 0)
        plsc.subcore_barrier()

        pltpu.sync_copy(acc_sh.at[pl.ds(r0, rpt)], zbuf)
        pltpu.sync_copy(zbuf, acc_o.at[pl.ds(row_off + r0, rpt)])
        if with_counts:
            @pl.when(c == 0)
            def _():
                pltpu.sync_copy(cnt_sh.at[pl.ds(r0, rpt)], cbuf)
                pltpu.sync_copy(cbuf, cnt_o.at[pl.ds(r0, rpt)])
        if tail:
            @pl.when(s == NS - 1)
            def _():
                pltpu.sync_copy(acc_sh.at[pl.ds(NS * rpt, tail)],
                                zbuf.at[pl.ds(0, tail)])
                pltpu.sync_copy(zbuf.at[pl.ds(0, tail)],
                                acc_o.at[pl.ds(row_off + NS * rpt, tail)])
                if with_counts:
                    @pl.when(c == 0)
                    def _():
                        pltpu.sync_copy(cnt_sh.at[pl.ds(NS * rpt, tail)],
                                        cbuf.at[pl.ds(0, tail)])
                        pltpu.sync_copy(cbuf.at[pl.ds(0, tail)],
                                        cnt_o.at[pl.ds(NS * rpt, tail)])

    f = pl.kernel(body, out_type=tuple(out_type), mesh=mesh,
                  scratch_types=tuple(scratch),
                  compiler_params=pltpu.CompilerParams(
                      use_tc_tiling_on_sc=False))
    outs = f(table, src, dst, ones, zf, zcf)
    if with_counts:
        return outs[0], outs[1]
    return outs[0], None



def _dense_body(acc, cnt, x, wl, wr, b, o):
    dh = acc.shape[2]
    inv = 1.0 / jnp.maximum(cnt[:, 0:1], 1.0)
    y = (jnp.dot(acc[0] * inv, wl[0:dh], preferred_element_type=jnp.float32,
                 precision=_PREC)
         + jnp.dot(acc[1] * inv, wl[dh:2 * dh],
                   preferred_element_type=jnp.float32, precision=_PREC)
         + jnp.dot(x[...], wr[...], preferred_element_type=jnp.float32,
                   precision=_PREC)
         + b[...])
    h = jnp.maximum(y, 0.0)
    o[0] = h[:, 0:dh]
    o[1] = h[:, dh:2 * dh]


def _tc_dense(acc, cnt, x, wl, wr, b, br=2000):
    n, d = x.shape
    h = wl.shape[1]
    dh = d // 2
    grid = (n // br,)
    row3 = lambda i: (0, i, 0)
    row = lambda i: (i, 0)
    full = lambda i: (0, 0)
    return pl.pallas_call(
        _dense_body,
        grid=grid,
        in_specs=[
            pl.BlockSpec((2, br, dh), row3),
            pl.BlockSpec((br, CW), row),
            pl.BlockSpec((br, d), row),
            pl.BlockSpec((d, h), full),
            pl.BlockSpec((d, h), full),
            pl.BlockSpec((1, h), full),
        ],
        out_specs=pl.BlockSpec((2, br, h // 2), row3),
        out_shape=jax.ShapeDtypeStruct((2, n, h // 2), jnp.float32),
    )(acc, cnt, x, wl, wr, b)



def _final_body(acc, cnt, hin, wl, wr, b, batch, bnw, bnb, fcw, fcb,
                o, pooled):
    i = pl.program_id(0)
    nsteps = pl.num_programs(0)
    dh = acc.shape[2]
    inv = 1.0 / jnp.maximum(cnt[:, 0:1], 1.0)
    y = (jnp.dot(acc[0] * inv, wl[0:dh], preferred_element_type=jnp.float32,
                 precision=_PREC)
         + jnp.dot(acc[1] * inv, wl[dh:2 * dh],
                   preferred_element_type=jnp.float32, precision=_PREC)
         + jnp.dot(hin[0], wr[0:dh], preferred_element_type=jnp.float32,
                   precision=_PREC)
         + jnp.dot(hin[1], wr[dh:2 * dh], preferred_element_type=jnp.float32,
                   precision=_PREC)
         + b[...])
    h2 = jnp.maximum(y, 0.0)
    br = h2.shape[0]
    gid = lax.broadcasted_iota(jnp.int32, (G, br), 0).astype(jnp.float32)
    sel = (batch[...].reshape(1, br) == gid).astype(jnp.float32)
    part = jnp.dot(sel, h2, preferred_element_type=jnp.float32,
                   precision=_PREC)

    @pl.when(i == 0)
    def _():
        pooled[...] = part

    @pl.when(i > 0)
    def _():
        pooled[...] += part

    @pl.when(i == nsteps - 1)
    def _():
        pool = pooled[...] * (1.0 / (1.0 + EPS) ** 0.5) * bnw[...] + bnb[...]
        o[...] = (jnp.dot(pool, fcw[...], preferred_element_type=jnp.float32,
                          precision=_PREC) + fcb[...])


def _tc_final(acc, cnt, hin, wl, wr, b, batch_f, bnw, bnb, fcw, fcb, br=2000):
    _, n, dh = hin.shape
    h = wl.shape[1]
    l = fcw.shape[1]
    grid = (n // br,)
    row3 = lambda i: (0, i, 0)
    row = lambda i: (i, 0)
    full = lambda i: (0, 0)
    return pl.pallas_call(
        _final_body,
        grid=grid,
        in_specs=[
            pl.BlockSpec((2, br, dh), row3),
            pl.BlockSpec((br, CW), row),
            pl.BlockSpec((2, br, dh), row3),
            pl.BlockSpec((h, h), full),
            pl.BlockSpec((h, h), full),
            pl.BlockSpec((1, h), full),
            pl.BlockSpec((1, 1, br), lambda i: (i, 0, 0)),
            pl.BlockSpec((1, h), full),
            pl.BlockSpec((1, h), full),
            pl.BlockSpec((h, l), full),
            pl.BlockSpec((1, l), full),
        ],
        out_specs=pl.BlockSpec((G, l), full),
        out_shape=jax.ShapeDtypeStruct((G, l), jnp.float32),
        scratch_shapes=[pltpu.VMEM((G, h), jnp.float32)],
    )(acc, cnt, hin, wl, wr, b, batch_f, bnw, bnb, fcw, fcb)



def kernel(x, edge_index, batch, W_l1, W_r1, b1, W_l2, W_r2, b2,
           bn_w, bn_b, fc_w, fc_b):
    n, d = x.shape
    dh = d // 2
    src = edge_index[0]
    dst = edge_index[1]
    ones = jnp.ones((CHUNK, CW), jnp.float32)
    rpt = (n // NS) // 8 * 8
    zf = jnp.zeros((rpt, dh), jnp.float32)
    zcf = jnp.zeros((rpt, CW), jnp.float32)

    x2 = jnp.stack([x[:, :dh], x[:, dh:]]).reshape(NC * n, dh)
    acc1, cnt = _sc_agg(x2, src, dst, ones, zf, zcf, with_counts=True)
    h1 = _tc_dense(acc1.reshape(NC, n, dh), cnt, x,
                   W_l1, W_r1, b1.reshape(1, -1))
    acc2, _ = _sc_agg(h1.reshape(NC * n, dh), src, dst, ones, zf, zcf,
                      with_counts=False)
    batch_f = batch.astype(jnp.float32).reshape(n // 2000, 1, 2000)
    out = _tc_final(acc2.reshape(NC, n, dh), cnt, h1,
                    W_l2, W_r2, b2.reshape(1, -1), batch_f,
                    bn_w.reshape(1, -1), bn_b.reshape(1, -1),
                    fc_w, fc_b.reshape(1, -1))
    return out

# --- scband reference (transcript-rebuilt; emitter-appended) ---
"""Pipeline reference for scband-graph-sageencoder-26508538151538 (READ-ONLY COPY).

The authoritative reference and input builder live on the scoring server;
editing this copy changes nothing except your own understanding.
"""

import jax, jax.numpy as jnp
import numpy as np

N = 10000
E = 320000
D = 128
H = 128
L = 64
G = 64
EPS = 1e-5


def setup_inputs(seed: int = 0) -> dict:
    key = jax.random.key(seed)
    ks = jax.random.split(key, 16)
    x = jax.random.normal(ks[0], (N, D), dtype=jnp.float32)
    edge_index = jax.random.randint(ks[1], (2, E), 0, N, dtype=jnp.int32)
    batch = jnp.sort(jax.random.randint(ks[2], (N,), 0, G, dtype=jnp.int32))
    s = 1.0 / np.sqrt(D)
    W_l1 = jax.random.uniform(ks[3], (D, H), jnp.float32, -s, s)
    W_r1 = jax.random.uniform(ks[4], (D, H), jnp.float32, -s, s)
    b1 = jnp.zeros((H,), jnp.float32)
    s2 = 1.0 / np.sqrt(H)
    W_l2 = jax.random.uniform(ks[5], (H, H), jnp.float32, -s2, s2)
    W_r2 = jax.random.uniform(ks[6], (H, H), jnp.float32, -s2, s2)
    b2 = jnp.zeros((H,), jnp.float32)
    bn_w = jnp.ones((H,), jnp.float32)
    bn_b = jnp.zeros((H,), jnp.float32)
    fc_w = jax.random.uniform(ks[7], (H, L), jnp.float32, -s2, s2)
    fc_b = jnp.zeros((L,), jnp.float32)
    return {"x": x, "edge_index": edge_index, "batch": batch,
            "W_l1": W_l1, "W_r1": W_r1, "b1": b1,
            "W_l2": W_l2, "W_r2": W_r2, "b2": b2,
            "bn_w": bn_w, "bn_b": bn_b, "fc_w": fc_w, "fc_b": fc_b}


def _sage_conv(x, edge_index, W_l, W_r, b):
    # PyG SAGEConv (mean aggregator): out = lin_l(mean_{j in N(i)} x_j) + lin_r(x_i)
    src = edge_index[0]
    dst = edge_index[1]
    msg = jnp.take(x, src, axis=0)
    n = x.shape[0]
    agg = jax.ops.segment_sum(msg, dst, num_segments=n)
    cnt = jax.ops.segment_sum(jnp.ones((msg.shape[0], 1), jnp.float32), dst, num_segments=n)
    mean = agg / jnp.maximum(cnt, 1.0)
    return mean @ W_l + b + x @ W_r


def reference(x, edge_index, batch, W_l1, W_r1, b1, W_l2, W_r2, b2, bn_w, bn_b, fc_w, fc_b):
    h = _sage_conv(x, edge_index, W_l1, W_r1, b1)
    h = jax.nn.relu(h)
    # dropout is identity in eval mode
    h = _sage_conv(h, edge_index, W_l2, W_r2, b2)
    h = jax.nn.relu(h)
    # global_add_pool over graphs in the batch
    pooled = jax.ops.segment_sum(h, batch, num_segments=G)
    # BatchNorm1d in eval mode with running_mean=0, running_var=1
    pooled = (pooled - 0.0) / jnp.sqrt(1.0 + EPS) * bn_w + bn_b
    out = pooled @ fc_w + fc_b
    return out

if __name__ == "__main__":
    import jax
    _d = setup_inputs()
    print(jax.jit(kernel)(*tuple(_d.values())))

</pallas_src>

<mosaic_0001>
#map = affine_map<(d0, d1) -> (0, 0)>
#map1 = affine_map<(d0, d1) -> (0)>
module attributes {stable_mosaic.version = 14 : i64} {
  func.func @body(%arg0: i32, %arg1: i32, %arg2: memref<20000x64xf32, #tpu.memory_space<hbm>>, %arg3: memref<320000xi32, #tpu.memory_space<hbm>>, %arg4: memref<320000xi32, #tpu.memory_space<hbm>>, %arg5: memref<80x8xf32, #tpu.memory_space<hbm>>, %arg6: memref<624x64xf32, #tpu.memory_space<hbm>>, %arg7: memref<624x8xf32, #tpu.memory_space<hbm>>, %arg8: memref<20000x64xf32, #tpu.memory_space<hbm>>, %arg9: memref<10000x8xf32, #tpu.memory_space<hbm>>, %arg10: memref<80xi32, #tpu.memory_space<vmem>>, %arg11: memref<80xi32, #tpu.memory_space<vmem>>, %arg12: memref<80x64xf32, #tpu.memory_space<vmem>>, %arg13: memref<624x64xf32, #tpu.memory_space<vmem>>, %arg14: memref<10000x64xf32, #tpu.memory_space<vmem_shared>>, %arg15: memref<!tpu.dma_semaphore, #tpu.memory_space<semaphore_mem>>, %arg16: memref<80x8xf32, #tpu.memory_space<vmem>>, %arg17: memref<624x8xf32, #tpu.memory_space<vmem>>, %arg18: memref<10000x8xf32, #tpu.memory_space<vmem_shared>>) attributes {dimension_semantics = [#tpu.dimension_semantics<core_parallel>, #tpu.dimension_semantics<subcore_parallel>], iteration_bounds = array<i64: 2, 16>, scalar_prefetch = 0 : i64, scratch_operands = 9 : i64, tpu.core_type = #tpu.core_type<sc_vector_subcore>, window_params = [{transform_indices = #map}, {transform_indices = #map1}, {transform_indices = #map1}, {transform_indices = #map}, {transform_indices = #map}, {transform_indices = #map}, {transform_indices = #map}, {transform_indices = #map}]} {
    %mul3A = arith.constant 624 : i32
    %mul3A_0 = arith.muli %arg1, %mul3A : i32
    "tpu.region"() ({
      %run_scoped3A = tpu.sem_alloc : memref<!tpu.dma_semaphore, #tpu.memory_space<semaphore_mem>>
      tpu.enqueue_dma source(%arg6 : memref<624x64xf32, #tpu.memory_space<hbm>>) target(%arg13 : memref<624x64xf32, #tpu.memory_space<vmem>>) target_semaphore(%run_scoped3A : memref<!tpu.dma_semaphore, #tpu.memory_space<semaphore_mem>>)
      tpu.wait_dma2 semaphore(%run_scoped3A : memref<!tpu.dma_semaphore, #tpu.memory_space<semaphore_mem>>) src(%arg6 : memref<624x64xf32, #tpu.memory_space<hbm>>) dst(%arg13 : memref<624x64xf32, #tpu.memory_space<vmem>>)
      tpu.yield
    }) : () -> ()
    "tpu.region"() ({
      %run_scoped3A = tpu.sem_alloc : memref<!tpu.dma_semaphore, #tpu.memory_space<semaphore_mem>>
      %dma_start3A = arith.constant 0 : i32
      %dma_start3A_26 = tpu.memref_slice %arg14[%mul3A_0, %dma_start3A] : memref<10000x64xf32, #tpu.memory_space<vmem_shared>> -> memref<624x64xf32, #tpu.memory_space<vmem_shared>>
      %dma_start3A_27 = arith.constant 0 : i32
      %dma_start3A_28 = tpu.memref_slice %arg14[%mul3A_0, %dma_start3A_27] : memref<10000x64xf32, #tpu.memory_space<vmem_shared>> -> memref<624x64xf32, #tpu.memory_space<vmem_shared>>
      tpu.enqueue_dma source(%arg13 : memref<624x64xf32, #tpu.memory_space<vmem>>) target(%dma_start3A_28 : memref<624x64xf32, #tpu.memory_space<vmem_shared>>) target_semaphore(%run_scoped3A : memref<!tpu.dma_semaphore, #tpu.memory_space<semaphore_mem>>)
      %dma_wait3A = arith.constant 0 : i32
      %dma_wait3A_29 = tpu.memref_slice %arg14[%mul3A_0, %dma_wait3A] : memref<10000x64xf32, #tpu.memory_space<vmem_shared>> -> memref<624x64xf32, #tpu.memory_space<vmem_shared>>
      %dma_wait3A_30 = arith.constant 0 : i32
      %dma_wait3A_31 = tpu.memref_slice %arg14[%mul3A_0, %dma_wait3A_30] : memref<10000x64xf32, #tpu.memory_space<vmem_shared>> -> memref<624x64xf32, #tpu.memory_space<vmem_shared>>
      tpu.wait_dma2 semaphore(%run_scoped3A : memref<!tpu.dma_semaphore, #tpu.memory_space<semaphore_mem>>) src(%arg13 : memref<624x64xf32, #tpu.memory_space<vmem>>) dst(%dma_wait3A_31 : memref<624x64xf32, #tpu.memory_space<vmem_shared>>)
      tpu.yield
    }) : () -> ()
    "tpu.region"() ({
      %run_scoped3A = tpu.sem_alloc : memref<!tpu.dma_semaphore, #tpu.memory_space<semaphore_mem>>
      tpu.enqueue_dma source(%arg5 : memref<80x8xf32, #tpu.memory_space<hbm>>) target(%arg16 : memref<80x8xf32, #tpu.memory_space<vmem>>) target_semaphore(%run_scoped3A : memref<!tpu.dma_semaphore, #tpu.memory_space<semaphore_mem>>)
      tpu.wait_dma2 semaphore(%run_scoped3A : memref<!tpu.dma_semaphore, #tpu.memory_space<semaphore_mem>>) src(%arg5 : memref<80x8xf32, #tpu.memory_space<hbm>>) dst(%arg16 : memref<80x8xf32, #tpu.memory_space<vmem>>)
      tpu.yield
    }) : () -> ()
    "tpu.region"() ({
      %run_scoped3A = tpu.sem_alloc : memref<!tpu.dma_semaphore, #tpu.memory_space<semaphore_mem>>
      tpu.enqueue_dma source(%arg7 : memref<624x8xf32, #tpu.memory_space<hbm>>) target(%arg17 : memref<624x8xf32, #tpu.memory_space<vmem>>) target_semaphore(%run_scoped3A : memref<!tpu.dma_semaphore, #tpu.memory_space<semaphore_mem>>)
      tpu.wait_dma2 semaphore(%run_scoped3A : memref<!tpu.dma_semaphore, #tpu.memory_space<semaphore_mem>>) src(%arg7 : memref<624x8xf32, #tpu.memory_space<hbm>>) dst(%arg17 : memref<624x8xf32, #tpu.memory_space<vmem>>)
      tpu.yield
    }) : () -> ()
    %eq3A = arith.constant 0 : i32
    %eq3A_1 = arith.cmpi eq, %arg0, %eq3A : i32
    %convert_element_type3A = arith.extui %eq3A_1 : i1 to i32
    %cond3A = arith.constant 0 : i32
    %cond3A_2 = arith.cmpi ne, %convert_element_type3A, %cond3A : i32
    scf.if %cond3A_2 {
      "tpu.region"() ({
        %run_scoped3A = tpu.sem_alloc : memref<!tpu.dma_semaphore, #tpu.memory_space<semaphore_mem>>
        %dma_start3A = arith.constant 0 : i32
        %dma_start3A_26 = tpu.memref_slice %arg18[%mul3A_0, %dma_start3A] : memref<10000x8xf32, #tpu.memory_space<vmem_shared>> -> memref<624x8xf32, #tpu.memory_space<vmem_shared>>
        %dma_start3A_27 = arith.constant 0 : i32
        %dma_start3A_28 = tpu.memref_slice %arg18[%mul3A_0, %dma_start3A_27] : memref<10000x8xf32, #tpu.memory_space<vmem_shared>> -> memref<624x8xf32, #tpu.memory_space<vmem_shared>>
        tpu.enqueue_dma source(%arg17 : memref<624x8xf32, #tpu.memory_space<vmem>>) target(%dma_start3A_28 : memref<624x8xf32, #tpu.memory_space<vmem_shared>>) target_semaphore(%run_scoped3A : memref<!tpu.dma_semaphore, #tpu.memory_space<semaphore_mem>>)
        %dma_wait3A = arith.constant 0 : i32
        %dma_wait3A_29 = tpu.memref_slice %arg18[%mul3A_0, %dma_wait3A] : memref<10000x8xf32, #tpu.memory_space<vmem_shared>> -> memref<624x8xf32, #tpu.memory_space<vmem_shared>>
        %dma_wait3A_30 = arith.constant 0 : i32
        %dma_wait3A_31 = tpu.memref_slice %arg18[%mul3A_0, %dma_wait3A_30] : memref<10000x8xf32, #tpu.memory_space<vmem_shared>> -> memref<624x8xf32, #tpu.memory_space<vmem_shared>>
        tpu.wait_dma2 semaphore(%run_scoped3A : memref<!tpu.dma_semaphore, #tpu.memory_space<semaphore_mem>>) src(%arg17 : memref<624x8xf32, #tpu.memory_space<vmem>>) dst(%dma_wait3A_31 : memref<624x8xf32, #tpu.memory_space<vmem_shared>>)
        tpu.yield
      }) : () -> ()
    } else {
    }
    %eq3A_3 = arith.constant 15 : i32
    %eq3A_4 = arith.cmpi eq, %arg1, %eq3A_3 : i32
    %convert_element_type3A_5 = arith.extui %eq3A_4 : i1 to i32
    %cond3A_6 = arith.constant 0 : i32
    %cond3A_7 = arith.cmpi ne, %convert_element_type3A_5, %cond3A_6 : i32
    scf.if %cond3A_7 {
      "tpu.region"() ({
        %run_scoped3A = tpu.sem_alloc : memref<!tpu.dma_semaphore, #tpu.memory_space<semaphore_mem>>
        %dma_start3A = arith.constant 0 : i32
        %dma_start3A_31 = arith.constant 0 : i32
        %dma_start3A_32 = tpu.memref_slice %arg13[%dma_start3A, %dma_start3A_31] : memref<624x64xf32, #tpu.memory_space<vmem>> -> memref<16x64xf32, #tpu.memory_space<vmem>>
        %dma_start3A_33 = arith.constant 9984 : i32
        %dma_start3A_34 = arith.constant 0 : i32
        %dma_start3A_35 = tpu.memref_slice %arg14[%dma_start3A_33, %dma_start3A_34] : memref<10000x64xf32, #tpu.memory_space<vmem_shared>> -> memref<16x64xf32, #tpu.memory_space<vmem_shared>>
        %dma_start3A_36 = arith.constant 9984 : i32
        %dma_start3A_37 = arith.constant 0 : i32
        %dma_start3A_38 = tpu.memref_slice %arg14[%dma_start3A_36, %dma_start3A_37] : memref<10000x64xf32, #tpu.memory_space<vmem_shared>> -> memref<16x64xf32, #tpu.memory_space<vmem_shared>>
        %dma_start3A_39 = arith.constant 0 : i32
        %dma_start3A_40 = arith.constant 0 : i32
        %dma_start3A_41 = tpu.memref_slice %arg13[%dma_start3A_39, %dma_start3A_40] : memref<624x64xf32, #tpu.memory_space<vmem>> -> memref<16x64xf32, #tpu.memory_space<vmem>>
        tpu.enqueue_dma source(%dma_start3A_41 : memref<16x64xf32, #tpu.memory_space<vmem>>) target(%dma_start3A_38 : memref<16x64xf32, #tpu.memory_space<vmem_shared>>) target_semaphore(%run_scoped3A : memref<!tpu.dma_semaphore, #tpu.memory_space<semaphore_mem>>)
        %dma_wait3A = arith.constant 0 : i32
        %dma_wait3A_42 = arith.constant 0 : i32
        %dma_wait3A_43 = tpu.memref_slice %arg13[%dma_wait3A, %dma_wait3A_42] : memref<624x64xf32, #tpu.memory_space<vmem>> -> memref<16x64xf32, #tpu.memory_space<vmem>>
        %dma_wait3A_44 = arith.constant 9984 : i32
        %dma_wait3A_45 = arith.constant 0 : i32
        %dma_wait3A_46 = tpu.memref_slice %arg14[%dma_wait3A_44, %dma_wait3A_45] : memref<10000x64xf32, #tpu.memory_space<vmem_shared>> -> memref<16x64xf32, #tpu.memory_space<vmem_shared>>
        %dma_wait3A_47 = arith.constant 9984 : i32
        %dma_wait3A_48 = arith.constant 0 : i32
        %dma_wait3A_49 = tpu.memref_slice %arg14[%dma_wait3A_47, %dma_wait3A_48] : memref<10000x64xf32, #tpu.memory_space<vmem_shared>> -> memref<16x64xf32, #tpu.memory_space<vmem_shared>>
        %dma_wait3A_50 = arith.constant 0 : i32
        %dma_wait3A_51 = arith.constant 0 : i32
        %dma_wait3A_52 = tpu.memref_slice %arg13[%dma_wait3A_50, %dma_wait3A_51] : memref<624x64xf32, #tpu.memory_space<vmem>> -> memref<16x64xf32, #tpu.memory_space<vmem>>
        tpu.wait_dma2 semaphore(%run_scoped3A : memref<!tpu.dma_semaphore, #tpu.memory_space<semaphore_mem>>) src(%dma_wait3A_52 : memref<16x64xf32, #tpu.memory_space<vmem>>) dst(%dma_wait3A_49 : memref<16x64xf32, #tpu.memory_space<vmem_shared>>)
        tpu.yield
      }) : () -> ()
      %eq3A_26 = arith.constant 0 : i32
      %eq3A_27 = arith.cmpi eq, %arg0, %eq3A_26 : i32
      %convert_element_type3A_28 = arith.extui %eq3A_27 : i1 to i32
      %cond3A_29 = arith.constant 0 : i32
      %cond3A_30 = arith.cmpi ne, %convert_element_type3A_28, %cond3A_29 : i32
      scf.if %cond3A_30 {
        "tpu.region"() ({
          %run_scoped3A = tpu.sem_alloc : memref<!tpu.dma_semaphore, #tpu.memory_space<semaphore_mem>>
          %dma_start3A = arith.constant 0 : i32
          %dma_start3A_31 = arith.constant 0 : i32
          %dma_start3A_32 = tpu.memref_slice %arg17[%dma_start3A, %dma_start3A_31] : memref<624x8xf32, #tpu.memory_space<vmem>> -> memref<16x8xf32, #tpu.memory_space<vmem>>
          %dma_start3A_33 = arith.constant 9984 : i32
          %dma_start3A_34 = arith.constant 0 : i32
          %dma_start3A_35 = tpu.memref_slice %arg18[%dma_start3A_33, %dma_start3A_34] : memref<10000x8xf32, #tpu.memory_space<vmem_shared>> -> memref<16x8xf32, #tpu.memory_space<vmem_shared>>
          %dma_start3A_36 = arith.constant 9984 : i32
          %dma_start3A_37 = arith.constant 0 : i32
          %dma_start3A_38 = tpu.memref_slice %arg18[%dma_start3A_36, %dma_start3A_37] : memref<10000x8xf32, #tpu.memory_space<vmem_shared>> -> memref<16x8xf32, #tpu.memory_space<vmem_shared>>
          %dma_start3A_39 = arith.constant 0 : i32
          %dma_start3A_40 = arith.constant 0 : i32
          %dma_start3A_41 = tpu.memref_slice %arg17[%dma_start3A_39, %dma_start3A_40] : memref<624x8xf32, #tpu.memory_space<vmem>> -> memref<16x8xf32, #tpu.memory_space<vmem>>
          tpu.enqueue_dma source(%dma_start3A_41 : memref<16x8xf32, #tpu.memory_space<vmem>>) target(%dma_start3A_38 : memref<16x8xf32, #tpu.memory_space<vmem_shared>>) target_semaphore(%run_scoped3A : memref<!tpu.dma_semaphore, #tpu.memory_space<semaphore_mem>>)
          %dma_wait3A = arith.constant 0 : i32
          %dma_wait3A_42 = arith.constant 0 : i32
          %dma_wait3A_43 = tpu.memref_slice %arg17[%dma_wait3A, %dma_wait3A_42] : memref<624x8xf32, #tpu.memory_space<vmem>> -> memref<16x8xf32, #tpu.memory_space<vmem>>
          %dma_wait3A_44 = arith.constant 9984 : i32
          %dma_wait3A_45 = arith.constant 0 : i32
          %dma_wait3A_46 = tpu.memref_slice %arg18[%dma_wait3A_44, %dma_wait3A_45] : memref<10000x8xf32, #tpu.memory_space<vmem_shared>> -> memref<16x8xf32, #tpu.memory_space<vmem_shared>>
          %dma_wait3A_47 = arith.constant 9984 : i32
          %dma_wait3A_48 = arith.constant 0 : i32
          %dma_wait3A_49 = tpu.memref_slice %arg18[%dma_wait3A_47, %dma_wait3A_48] : memref<10000x8xf32, #tpu.memory_space<vmem_shared>> -> memref<16x8xf32, #tpu.memory_space<vmem_shared>>
          %dma_wait3A_50 = arith.constant 0 : i32
          %dma_wait3A_51 = arith.constant 0 : i32
          %dma_wait3A_52 = tpu.memref_slice %arg17[%dma_wait3A_50, %dma_wait3A_51] : memref<624x8xf32, #tpu.memory_space<vmem>> -> memref<16x8xf32, #tpu.memory_space<vmem>>
          tpu.wait_dma2 semaphore(%run_scoped3A : memref<!tpu.dma_semaphore, #tpu.memory_space<semaphore_mem>>) src(%dma_wait3A_52 : memref<16x8xf32, #tpu.memory_space<vmem>>) dst(%dma_wait3A_49 : memref<16x8xf32, #tpu.memory_space<vmem_shared>>)
          tpu.yield
        }) : () -> ()
      } else {
      }
    } else {
    }
    %barrier3A = arith.constant 0 : index
    tpu.barrier barrier_id(%barrier3A)
    %mul3A_8 = arith.constant 10000 : i32
    %mul3A_9 = arith.muli %arg0, %mul3A_8 : i32
    %scan3A = arith.constant 0 : i32
    %scan3A_10 = arith.constant 0 : i32
    %scan3A_11 = arith.constant 250 : i32
    %scan3A_12 = arith.addi %scan3A_10, %scan3A_11 : i32
    %scan3A_13 = arith.constant 1 : i32
    scf.for %scan3A_26 = %scan3A_10 to %scan3A_12 step %scan3A_13  : i32 {
      %mul3A_27 = arith.constant 20000 : i32
      %mul3A_28 = arith.muli %arg1, %mul3A_27 : i32
      %mul3A_29 = arith.constant 80 : i32
      %mul3A_30 = arith.muli %scan3A_26, %mul3A_29 : i32
      %add3A_31 = arith.addi %mul3A_28, %mul3A_30 : i32
      "tpu.region"() ({
        %run_scoped3A = tpu.sem_alloc : memref<!tpu.dma_semaphore, #tpu.memory_space<semaphore_mem>>
        %dma_start3A_84 = tpu.memref_slice %arg3[%add3A_31] : memref<320000xi32, #tpu.memory_space<hbm>> -> memref<80xi32, #tpu.memory_space<hbm>>
        %dma_start3A_85 = tpu.memref_slice %arg3[%add3A_31] : memref<320000xi32, #tpu.memory_space<hbm>> -> memref<80xi32, #tpu.memory_space<hbm>>
        tpu.enqueue_dma source(%dma_start3A_85 : memref<80xi32, #tpu.memory_space<hbm>>) target(%arg10 : memref<80xi32, #tpu.memory_space<vmem>>) target_semaphore(%run_scoped3A : memref<!tpu.dma_semaphore, #tpu.memory_space<semaphore_mem>>)
        %dma_wait3A_86 = tpu.memref_slice %arg3[%add3A_31] : memref<320000xi32, #tpu.memory_space<hbm>> -> memref<80xi32, #tpu.memory_space<hbm>>
        %dma_wait3A_87 = tpu.memref_slice %arg3[%add3A_31] : memref<320000xi32, #tpu.memory_space<hbm>> -> memref<80xi32, #tpu.memory_space<hbm>>
        tpu.wait_dma2 semaphore(%run_scoped3A : memref<!tpu.dma_semaphore, #tpu.memory_space<semaphore_mem>>) src(%dma_wait3A_87 : memref<80xi32, #tpu.memory_space<hbm>>) dst(%arg10 : memref<80xi32, #tpu.memory_space<vmem>>)
        tpu.yield
      }) : () -> ()
      "tpu.region"() ({
        %run_scoped3A = tpu.sem_alloc : memref<!tpu.dma_semaphore, #tpu.memory_space<semaphore_mem>>
        %dma_start3A_84 = tpu.memref_slice %arg4[%add3A_31] : memref<320000xi32, #tpu.memory_space<hbm>> -> memref<80xi32, #tpu.memory_space<hbm>>
        %dma_start3A_85 = tpu.memref_slice %arg4[%add3A_31] : memref<320000xi32, #tpu.memory_space<hbm>> -> memref<80xi32, #tpu.memory_space<hbm>>
        tpu.enqueue_dma source(%dma_start3A_85 : memref<80xi32, #tpu.memory_space<hbm>>) target(%arg11 : memref<80xi32, #tpu.memory_space<vmem>>) target_semaphore(%run_scoped3A : memref<!tpu.dma_semaphore, #tpu.memory_space<semaphore_mem>>)
        %dma_wait3A_86 = tpu.memref_slice %arg4[%add3A_31] : memref<320000xi32, #tpu.memory_space<hbm>> -> memref<80xi32, #tpu.memory_space<hbm>>
        %dma_wait3A_87 = tpu.memref_slice %arg4[%add3A_31] : memref<320000xi32, #tpu.memory_space<hbm>> -> memref<80xi32, #tpu.memory_space<hbm>>
        tpu.wait_dma2 semaphore(%run_scoped3A : memref<!tpu.dma_semaphore, #tpu.memory_space<semaphore_mem>>) src(%dma_wait3A_87 : memref<80xi32, #tpu.memory_space<hbm>>) dst(%arg11 : memref<80xi32, #tpu.memory_space<vmem>>)
        tpu.yield
      }) : () -> ()
      %get3A = arith.constant 0 : index
      %get3A_32 = tpu.vector_load %arg10[%get3A] {strides = array<i32>} : memref<80xi32, #tpu.memory_space<vmem>>, vector<16xi32>,
      %get3A_33 = vector.shape_cast %get3A_32 : vector<16xi32> to vector<16xi32>
      %add3A_34 = vector.broadcast %mul3A_9 : i32 to vector<16xi32>
      %add3A_35 = arith.addi %get3A_33, %add3A_34 : vector<16xi32>
      %swap3A = arith.constant 0 : index
      %swap3A_36 = tpu.vector_load %arg10[%swap3A] {strides = array<i32>} : memref<80xi32, #tpu.memory_space<vmem>>, vector<16xi32>,
      %swap3A_37 = vector.shape_cast %swap3A_36 : vector<16xi32> to vector<16xi32>
      %swap3A_38 = vector.shape_cast %add3A_35 : vector<16xi32> to vector<16xi32>
      tpu.vector_store %arg10[%swap3A], %swap3A_38 {strides = array<i32>} : memref<80xi32, #tpu.memory_space<vmem>>, vector<16xi32>,
      %get3A_39 = arith.constant 16 : index
      %get3A_40 = tpu.vector_load %arg10[%get3A_39] {strides = array<i32>} : memref<80xi32, #tpu.memory_space<vmem>>, vector<16xi32>,
      %get3A_41 = vector.shape_cast %get3A_40 : vector<16xi32> to vector<16xi32>
      %add3A_42 = vector.broadcast %mul3A_9 : i32 to vector<16xi32>
      %add3A_43 = arith.addi %get3A_41, %add3A_42 : vector<16xi32>
      %swap3A_44 = arith.constant 16 : index
      %swap3A_45 = tpu.vector_load %arg10[%swap3A_44] {strides = array<i32>} : memref<80xi32, #tpu.memory_space<vmem>>, vector<16xi32>,
      %swap3A_46 = vector.shape_cast %swap3A_45 : vector<16xi32> to vector<16xi32>
      %swap3A_47 = vector.shape_cast %add3A_43 : vector<16xi32> to vector<16xi32>
      tpu.vector_store %arg10[%swap3A_44], %swap3A_47 {strides = array<i32>} : memref<80xi32, #tpu.memory_space<vmem>>, vector<16xi32>,
      %get3A_48 = arith.constant 32 : index
      %get3A_49 = tpu.vector_load %arg10[%get3A_48] {strides = array<i32>} : memref<80xi32, #tpu.memory_space<vmem>>, vector<16xi32>,
      %get3A_50 = vector.shape_cast %get3A_49 : vector<16xi32> to vector<16xi32>
      %add3A_51 = vector.broadcast %mul3A_9 : i32 to vector<16xi32>
      %add3A_52 = arith.addi %get3A_50, %add3A_51 : vector<16xi32>
      %swap3A_53 = arith.constant 32 : index
      %swap3A_54 = tpu.vector_load %arg10[%swap3A_53] {strides = array<i32>} : memref<80xi32, #tpu.memory_space<vmem>>, vector<16xi32>,
      %swap3A_55 = vector.shape_cast %swap3A_54 : vector<16xi32> to vector<16xi32>
      %swap3A_56 = vector.shape_cast %add3A_52 : vector<16xi32> to vector<16xi32>
      tpu.vector_store %arg10[%swap3A_53], %swap3A_56 {strides = array<i32>} : memref<80xi32, #tpu.memory_space<vmem>>, vector<16xi32>,
      %get3A_57 = arith.constant 48 : index
      %get3A_58 = tpu.vector_load %arg10[%get3A_57] {strides = array<i32>} : memref<80xi32, #tpu.memory_space<vmem>>, vector<16xi32>,
      %get3A_59 = vector.shape_cast %get3A_58 : vector<16xi32> to vector<16xi32>
      %add3A_60 = vector.broadcast %mul3A_9 : i32 to vector<16xi32>
      %add3A_61 = arith.addi %get3A_59, %add3A_60 : vector<16xi32>
      %swap3A_62 = arith.constant 48 : index
      %swap3A_63 = tpu.vector_load %arg10[%swap3A_62] {strides = array<i32>} : memref<80xi32, #tpu.memory_space<vmem>>, vector<16xi32>,
      %swap3A_64 = vector.shape_cast %swap3A_63 : vector<16xi32> to vector<16xi32>
      %swap3A_65 = vector.shape_cast %add3A_61 : vector<16xi32> to vector<16xi32>
      tpu.vector_store %arg10[%swap3A_62], %swap3A_65 {strides = array<i32>} : memref<80xi32, #tpu.memory_space<vmem>>, vector<16xi32>,
      %get3A_66 = arith.constant 64 : index
      %get3A_67 = tpu.vector_load %arg10[%get3A_66] {strides = array<i32>} : memref<80xi32, #tpu.memory_space<vmem>>, vector<16xi32>,
      %get3A_68 = vector.shape_cast %get3A_67 : vector<16xi32> to vector<16xi32>
      %add3A_69 = vector.broadcast %mul3A_9 : i32 to vector<16xi32>
      %add3A_70 = arith.addi %get3A_68, %add3A_69 : vector<16xi32>
      %swap3A_71 = arith.constant 64 : index
      %swap3A_72 = tpu.vector_load %arg10[%swap3A_71] {strides = array<i32>} : memref<80xi32, #tpu.memory_space<vmem>>, vector<16xi32>,
      %swap3A_73 = vector.shape_cast %swap3A_72 : vector<16xi32> to vector<16xi32>
      %swap3A_74 = vector.shape_cast %add3A_70 : vector<16xi32> to vector<16xi32>
      tpu.vector_store %arg10[%swap3A_71], %swap3A_74 {strides = array<i32>} : memref<80xi32, #tpu.memory_space<vmem>>, vector<16xi32>,
      %dma_start3A = arith.constant 0 : i32
      %dma_start3A_75 = arith.constant 0 : i32
      %dma_start3A_76 = tpu.memref_slice %arg2[%dma_start3A, %dma_start3A_75] : memref<20000x64xf32, #tpu.memory_space<hbm>> -> memref<20000x64xf32, #tpu.memory_space<hbm>>
      tpu.enqueue_indirect_dma source(%dma_start3A_76 : memref<20000x64xf32, #tpu.memory_space<hbm>>) target(%arg12 : memref<80x64xf32, #tpu.memory_space<vmem>>) offsets(%arg10 : memref<80xi32, #tpu.memory_space<vmem>>) semaphore(%arg15 : memref<!tpu.dma_semaphore, #tpu.memory_space<semaphore_mem>>)
      %dma_wait3A = arith.constant 0 : i32
      %dma_wait3A_77 = arith.constant 0 : i32
      %dma_wait3A_78 = tpu.memref_slice %arg2[%dma_wait3A, %dma_wait3A_77] : memref<20000x64xf32, #tpu.memory_space<hbm>> -> memref<20000x64xf32, #tpu.memory_space<hbm>>
      tpu.wait_indirect_dma semaphore(%arg15 : memref<!tpu.dma_semaphore, #tpu.memory_space<semaphore_mem>>) src(%dma_wait3A_78 : memref<20000x64xf32, #tpu.memory_space<hbm>>) dst(%arg12 : memref<80x64xf32, #tpu.memory_space<vmem>>)
      "tpu.region"() ({
        %run_scoped3A = tpu.sem_alloc : memref<!tpu.dma_semaphore, #tpu.memory_space<semaphore_mem>>
        %dma_start3A_84 = arith.constant 0 : i32
        %dma_start3A_85 = arith.constant 0 : i32
        %dma_start3A_86 = tpu.memref_slice %arg14[%dma_start3A_84, %dma_start3A_85] : memref<10000x64xf32, #tpu.memory_space<vmem_shared>> -> memref<10000x64xf32, #tpu.memory_space<vmem_shared>>
        tpu.enqueue_indirect_dma source(%arg12 : memref<80x64xf32, #tpu.memory_space<vmem>>) target(%dma_start3A_86 : memref<10000x64xf32, #tpu.memory_space<vmem_shared>>) offsets(%arg11 : memref<80xi32, #tpu.memory_space<vmem>>) semaphore(%run_scoped3A : memref<!tpu.dma_semaphore, #tpu.memory_space<semaphore_mem>>) {add = true}
        %dma_wait3A_87 = arith.constant 0 : i32
        %dma_wait3A_88 = arith.constant 0 : i32
        %dma_wait3A_89 = tpu.memref_slice %arg14[%dma_wait3A_87, %dma_wait3A_88] : memref<10000x64xf32, #tpu.memory_space<vmem_shared>> -> memref<10000x64xf32, #tpu.memory_space<vmem_shared>>
        tpu.wait_indirect_dma semaphore(%run_scoped3A : memref<!tpu.dma_semaphore, #tpu.memory_space<semaphore_mem>>) src(%arg12 : memref<80x64xf32, #tpu.memory_space<vmem>>) dst(%dma_wait3A_89 : memref<10000x64xf32, #tpu.memory_space<vmem_shared>>)
        tpu.yield
      }) : () -> ()
      %eq3A_79 = arith.constant 0 : i32
      %eq3A_80 = arith.cmpi eq, %arg0, %eq3A_79 : i32
      %convert_element_type3A_81 = arith.extui %eq3A_80 : i1 to i32
      %cond3A_82 = arith.constant 0 : i32
      %cond3A_83 = arith.cmpi ne, %convert_element_type3A_81, %cond3A_82 : i32
      scf.if %cond3A_83 {
        "tpu.region"() ({
          %run_scoped3A = tpu.sem_alloc : memref<!tpu.dma_semaphore, #tpu.memory_space<semaphore_mem>>
          %dma_start3A_84 = arith.constant 0 : i32
          %dma_start3A_85 = arith.constant 0 : i32
          %dma_start3A_86 = tpu.memref_slice %arg18[%dma_start3A_84, %dma_start3A_85] : memref<10000x8xf32, #tpu.memory_space<vmem_shared>> -> memref<10000x8xf32, #tpu.memory_space<vmem_shared>>
          tpu.enqueue_indirect_dma source(%arg16 : memref<80x8xf32, #tpu.memory_space<vmem>>) target(%dma_start3A_86 : memref<10000x8xf32, #tpu.memory_space<vmem_shared>>) offsets(%arg11 : memref<80xi32, #tpu.memory_space<vmem>>) semaphore(%run_scoped3A : memref<!tpu.dma_semaphore, #tpu.memory_space<semaphore_mem>>) {add = true}
          %dma_wait3A_87 = arith.constant 0 : i32
          %dma_wait3A_88 = arith.constant 0 : i32
          %dma_wait3A_89 = tpu.memref_slice %arg18[%dma_wait3A_87, %dma_wait3A_88] : memref<10000x8xf32, #tpu.memory_space<vmem_shared>> -> memref<10000x8xf32, #tpu.memory_space<vmem_shared>>
          tpu.wait_indirect_dma semaphore(%run_scoped3A : memref<!tpu.dma_semaphore, #tpu.memory_space<semaphore_mem>>) src(%arg16 : memref<80x8xf32, #tpu.memory_space<vmem>>) dst(%dma_wait3A_89 : memref<10000x8xf32, #tpu.memory_space<vmem_shared>>)
          tpu.yield
        }) : () -> ()
      } else {
      }
    }
    %scan3A_14 = arith.constant 250 : i32
    %barrier3A_15 = arith.constant 0 : index
    tpu.barrier barrier_id(%barrier3A_15)
    "tpu.region"() ({
      %run_scoped3A = tpu.sem_alloc : memref<!tpu.dma_semaphore, #tpu.memory_space<semaphore_mem>>
      %dma_start3A = arith.constant 0 : i32
      %dma_start3A_26 = tpu.memref_slice %arg14[%mul3A_0, %dma_start3A] : memref<10000x64xf32, #tpu.memory_space<vmem_shared>> -> memref<624x64xf32, #tpu.memory_space<vmem_shared>>
      %dma_start3A_27 = arith.constant 0 : i32
      %dma_start3A_28 = tpu.memref_slice %arg14[%mul3A_0, %dma_start3A_27] : memref<10000x64xf32, #tpu.memory_space<vmem_shared>> -> memref<624x64xf32, #tpu.memory_space<vmem_shared>>
      tpu.enqueue_dma source(%dma_start3A_28 : memref<624x64xf32, #tpu.memory_space<vmem_shared>>) target(%arg13 : memref<624x64xf32, #tpu.memory_space<vmem>>) target_semaphore(%run_scoped3A : memref<!tpu.dma_semaphore, #tpu.memory_space<semaphore_mem>>)
      %dma_wait3A = arith.constant 0 : i32
      %dma_wait3A_29 = tpu.memref_slice %arg14[%mul3A_0, %dma_wait3A] : memref<10000x64xf32, #tpu.memory_space<vmem_shared>> -> memref<624x64xf32, #tpu.memory_space<vmem_shared>>
      %dma_wait3A_30 = arith.constant 0 : i32
      %dma_wait3A_31 = tpu.memref_slice %arg14[%mul3A_0, %dma_wait3A_30] : memref<10000x64xf32, #tpu.memory_space<vmem_shared>> -> memref<624x64xf32, #tpu.memory_space<vmem_shared>>
      tpu.wait_dma2 semaphore(%run_scoped3A : memref<!tpu.dma_semaphore, #tpu.memory_space<semaphore_mem>>) src(%dma_wait3A_31 : memref<624x64xf32, #tpu.memory_space<vmem_shared>>) dst(%arg13 : memref<624x64xf32, #tpu.memory_space<vmem>>)
      tpu.yield
    }) : () -> ()
    %add3A = arith.addi %mul3A_9, %mul3A_0 : i32
    "tpu.region"() ({
      %run_scoped3A = tpu.sem_alloc : memref<!tpu.dma_semaphore, #tpu.memory_space<semaphore_mem>>
      %dma_start3A = arith.constant 0 : i32
      %dma_start3A_26 = tpu.memref_slice %arg8[%add3A, %dma_start3A] : memref<20000x64xf32, #tpu.memory_space<hbm>> -> memref<624x64xf32, #tpu.memory_space<hbm>>
      %dma_start3A_27 = arith.constant 0 : i32
      %dma_start3A_28 = tpu.memref_slice %arg8[%add3A, %dma_start3A_27] : memref<20000x64xf32, #tpu.memory_space<hbm>> -> memref<624x64xf32, #tpu.memory_space<hbm>>
      tpu.enqueue_dma source(%arg13 : memref<624x64xf32, #tpu.memory_space<vmem>>) target(%dma_start3A_28 : memref<624x64xf32, #tpu.memory_space<hbm>>) target_semaphore(%run_scoped3A : memref<!tpu.dma_semaphore, #tpu.memory_space<semaphore_mem>>)
      %dma_wait3A = arith.constant 0 : i32
      %dma_wait3A_29 = tpu.memref_slice %arg8[%add3A, %dma_wait3A] : memref<20000x64xf32, #tpu.memory_space<hbm>> -> memref<624x64xf32, #tpu.memory_space<hbm>>
      %dma_wait3A_30 = arith.constant 0 : i32
      %dma_wait3A_31 = tpu.memref_slice %arg8[%add3A, %dma_wait3A_30] : memref<20000x64xf32, #tpu.memory_space<hbm>> -> memref<624x64xf32, #tpu.memory_space<hbm>>
      tpu.wait_dma2 semaphore(%run_scoped3A : memref<!tpu.dma_semaphore, #tpu.memory_space<semaphore_mem>>) src(%arg13 : memref<624x64xf32, #tpu.memory_space<vmem>>) dst(%dma_wait3A_31 : memref<624x64xf32, #tpu.memory_space<hbm>>)
      tpu.yield
    }) : () -> ()
    %eq3A_16 = arith.constant 0 : i32
    %eq3A_17 = arith.cmpi eq, %arg0, %eq3A_16 : i32
    %convert_element_type3A_18 = arith.extui %eq3A_17 : i1 to i32
    %cond3A_19 = arith.constant 0 : i32
    %cond3A_20 = arith.cmpi ne, %convert_element_type3A_18, %cond3A_19 : i32
    scf.if %cond3A_20 {
      "tpu.region"() ({
        %run_scoped3A = tpu.sem_alloc : memref<!tpu.dma_semaphore, #tpu.memory_space<semaphore_mem>>
        %dma_start3A = arith.constant 0 : i32
        %dma_start3A_26 = tpu.memref_slice %arg18[%mul3A_0, %dma_start3A] : memref<10000x8xf32, #tpu.memory_space<vmem_shared>> -> memref<624x8xf32, #tpu.memory_space<vmem_shared>>
        %dma_start3A_27 = arith.constant 0 : i32
        %dma_start3A_28 = tpu.memref_slice %arg18[%mul3A_0, %dma_start3A_27] : memref<10000x8xf32, #tpu.memory_space<vmem_shared>> -> memref<624x8xf32, #tpu.memory_space<vmem_shared>>
        tpu.enqueue_dma source(%dma_start3A_28 : memref<624x8xf32, #tpu.memory_space<vmem_shared>>) target(%arg17 : memref<624x8xf32, #tpu.memory_space<vmem>>) target_semaphore(%run_scoped3A : memref<!tpu.dma_semaphore, #tpu.memory_space<semaphore_mem>>)
        %dma_wait3A = arith.constant 0 : i32
        %dma_wait3A_29 = tpu.memref_slice %arg18[%mul3A_0, %dma_wait3A] : memref<10000x8xf32, #tpu.memory_space<vmem_shared>> -> memref<624x8xf32, #tpu.memory_space<vmem_shared>>
        %dma_wait3A_30 = arith.constant 0 : i32
        %dma_wait3A_31 = tpu.memref_slice %arg18[%mul3A_0, %dma_wait3A_30] : memref<10000x8xf32, #tpu.memory_space<vmem_shared>> -> memref<624x8xf32, #tpu.memory_space<vmem_shared>>
        tpu.wait_dma2 semaphore(%run_scoped3A : memref<!tpu.dma_semaphore, #tpu.memory_space<semaphore_mem>>) src(%dma_wait3A_31 : memref<624x8xf32, #tpu.memory_space<vmem_shared>>) dst(%arg17 : memref<624x8xf32, #tpu.memory_space<vmem>>)
        tpu.yield
      }) : () -> ()
      "tpu.region"() ({
        %run_scoped3A = tpu.sem_alloc : memref<!tpu.dma_semaphore, #tpu.memory_space<semaphore_mem>>
        %dma_start3A = arith.constant 0 : i32
        %dma_start3A_26 = tpu.memref_slice %arg9[%mul3A_0, %dma_start3A] : memref<10000x8xf32, #tpu.memory_space<hbm>> -> memref<624x8xf32, #tpu.memory_space<hbm>>
        %dma_start3A_27 = arith.constant 0 : i32
        %dma_start3A_28 = tpu.memref_slice %arg9[%mul3A_0, %dma_start3A_27] : memref<10000x8xf32, #tpu.memory_space<hbm>> -> memref<624x8xf32, #tpu.memory_space<hbm>>
        tpu.enqueue_dma source(%arg17 : memref<624x8xf32, #tpu.memory_space<vmem>>) target(%dma_start3A_28 : memref<624x8xf32, #tpu.memory_space<hbm>>) target_semaphore(%run_scoped3A : memref<!tpu.dma_semaphore, #tpu.memory_space<semaphore_mem>>)
        %dma_wait3A = arith.constant 0 : i32
        %dma_wait3A_29 = tpu.memref_slice %arg9[%mul3A_0, %dma_wait3A] : memref<10000x8xf32, #tpu.memory_space<hbm>> -> memref<624x8xf32, #tpu.memory_space<hbm>>
        %dma_wait3A_30 = arith.constant 0 : i32
        %dma_wait3A_31 = tpu.memref_slice %arg9[%mul3A_0, %dma_wait3A_30] : memref<10000x8xf32, #tpu.memory_space<hbm>> -> memref<624x8xf32, #tpu.memory_space<hbm>>
        tpu.wait_dma2 semaphore(%run_scoped3A : memref<!tpu.dma_semaphore, #tpu.memory_space<semaphore_mem>>) src(%arg17 : memref<624x8xf32, #tpu.memory_space<vmem>>) dst(%dma_wait3A_31 : memref<624x8xf32, #tpu.memory_space<hbm>>)
        tpu.yield
      }) : () -> ()
    } else {
    }
    %eq3A_21 = arith.constant 15 : i32
    %eq3A_22 = arith.cmpi eq, %arg1, %eq3A_21 : i32
    %convert_element_type3A_23 = arith.extui %eq3A_22 : i1 to i32
    %cond3A_24 = arith.constant 0 : i32
    %cond3A_25 = arith.cmpi ne, %convert_element_type3A_23, %cond3A_24 : i32
    scf.if %cond3A_25 {
      "tpu.region"() ({
        %run_scoped3A = tpu.sem_alloc : memref<!tpu.dma_semaphore, #tpu.memory_space<semaphore_mem>>
        %dma_start3A = arith.constant 0 : i32
        %dma_start3A_33 = arith.constant 0 : i32
        %dma_start3A_34 = tpu.memref_slice %arg13[%dma_start3A, %dma_start3A_33] : memref<624x64xf32, #tpu.memory_space<vmem>> -> memref<16x64xf32, #tpu.memory_space<vmem>>
        %dma_start3A_35 = arith.constant 9984 : i32
        %dma_start3A_36 = arith.constant 0 : i32
        %dma_start3A_37 = tpu.memref_slice %arg14[%dma_start3A_35, %dma_start3A_36] : memref<10000x64xf32, #tpu.memory_space<vmem_shared>> -> memref<16x64xf32, #tpu.memory_space<vmem_shared>>
        %dma_start3A_38 = arith.constant 0 : i32
        %dma_start3A_39 = arith.constant 0 : i32
        %dma_start3A_40 = tpu.memref_slice %arg13[%dma_start3A_38, %dma_start3A_39] : memref<624x64xf32, #tpu.memory_space<vmem>> -> memref<16x64xf32, #tpu.memory_space<vmem>>
        %dma_start3A_41 = arith.constant 9984 : i32
        %dma_start3A_42 = arith.constant 0 : i32
        %dma_start3A_43 = tpu.memref_slice %arg14[%dma_start3A_41, %dma_start3A_42] : memref<10000x64xf32, #tpu.memory_space<vmem_shared>> -> memref<16x64xf32, #tpu.memory_space<vmem_shared>>
        tpu.enqueue_dma source(%dma_start3A_43 : memref<16x64xf32, #tpu.memory_space<vmem_shared>>) target(%dma_start3A_40 : memref<16x64xf32, #tpu.memory_space<vmem>>) target_semaphore(%run_scoped3A : memref<!tpu.dma_semaphore, #tpu.memory_space<semaphore_mem>>)
        %dma_wait3A = arith.constant 0 : i32
        %dma_wait3A_44 = arith.constant 0 : i32
        %dma_wait3A_45 = tpu.memref_slice %arg13[%dma_wait3A, %dma_wait3A_44] : memref<624x64xf32, #tpu.memory_space<vmem>> -> memref<16x64xf32, #tpu.memory_space<vmem>>
        %dma_wait3A_46 = arith.constant 9984 : i32
        %dma_wait3A_47 = arith.constant 0 : i32
        %dma_wait3A_48 = tpu.memref_slice %arg14[%dma_wait3A_46, %dma_wait3A_47] : memref<10000x64xf32, #tpu.memory_space<vmem_shared>> -> memref<16x64xf32, #tpu.memory_space<vmem_shared>>
        %dma_wait3A_49 = arith.constant 0 : i32
        %dma_wait3A_50 = arith.constant 0 : i32
        %dma_wait3A_51 = tpu.memref_slice %arg13[%dma_wait3A_49, %dma_wait3A_50] : memref<624x64xf32, #tpu.memory_space<vmem>> -> memref<16x64xf32, #tpu.memory_space<vmem>>
        %dma_wait3A_52 = arith.constant 9984 : i32
        %dma_wait3A_53 = arith.constant 0 : i32
        %dma_wait3A_54 = tpu.memref_slice %arg14[%dma_wait3A_52, %dma_wait3A_53] : memref<10000x64xf32, #tpu.memory_space<vmem_shared>> -> memref<16x64xf32, #tpu.memory_space<vmem_shared>>
        tpu.wait_dma2 semaphore(%run_scoped3A : memref<!tpu.dma_semaphore, #tpu.memory_space<semaphore_mem>>) src(%dma_wait3A_54 : memref<16x64xf32, #tpu.memory_space<vmem_shared>>) dst(%dma_wait3A_51 : memref<16x64xf32, #tpu.memory_space<vmem>>)
        tpu.yield
      }) : () -> ()
      %add3A_26 = arith.constant 9984 : i32
      %add3A_27 = arith.addi %mul3A_9, %add3A_26 : i32
      "tpu.region"() ({
        %run_scoped3A = tpu.sem_alloc : memref<!tpu.dma_semaphore, #tpu.memory_space<semaphore_mem>>
        %dma_start3A = arith.constant 0 : i32
        %dma_start3A_33 = arith.constant 0 : i32
        %dma_start3A_34 = tpu.memref_slice %arg13[%dma_start3A, %dma_start3A_33] : memref<624x64xf32, #tpu.memory_space<vmem>> -> memref<16x64xf32, #tpu.memory_space<vmem>>
        %dma_start3A_35 = arith.constant 0 : i32
        %dma_start3A_36 = tpu.memref_slice %arg8[%add3A_27, %dma_start3A_35] : memref<20000x64xf32, #tpu.memory_space<hbm>> -> memref<16x64xf32, #tpu.memory_space<hbm>>
        %dma_start3A_37 = arith.constant 0 : i32
        %dma_start3A_38 = tpu.memref_slice %arg8[%add3A_27, %dma_start3A_37] : memref<20000x64xf32, #tpu.memory_space<hbm>> -> memref<16x64xf32, #tpu.memory_space<hbm>>
        %dma_start3A_39 = arith.constant 0 : i32
        %dma_start3A_40 = arith.constant 0 : i32
        %dma_start3A_41 = tpu.memref_slice %arg13[%dma_start3A_39, %dma_start3A_40] : memref<624x64xf32, #tpu.memory_space<vmem>> -> memref<16x64xf32, #tpu.memory_space<vmem>>
        tpu.enqueue_dma source(%dma_start3A_41 : memref<16x64xf32, #tpu.memory_space<vmem>>) target(%dma_start3A_38 : memref<16x64xf32, #tpu.memory_space<hbm>>) target_semaphore(%run_scoped3A : memref<!tpu.dma_semaphore, #tpu.memory_space<semaphore_mem>>)
        %dma_wait3A = arith.constant 0 : i32
        %dma_wait3A_42 = arith.constant 0 : i32
        %dma_wait3A_43 = tpu.memref_slice %arg13[%dma_wait3A, %dma_wait3A_42] : memref<624x64xf32, #tpu.memory_space<vmem>> -> memref<16x64xf32, #tpu.memory_space<vmem>>
        %dma_wait3A_44 = arith.constant 0 : i32
        %dma_wait3A_45 = tpu.memref_slice %arg8[%add3A_27, %dma_wait3A_44] : memref<20000x64xf32, #tpu.memory_space<hbm>> -> memref<16x64xf32, #tpu.memory_space<hbm>>
        %dma_wait3A_46 = arith.constant 0 : i32
        %dma_wait3A_47 = tpu.memref_slice %arg8[%add3A_27, %dma_wait3A_46] : memref<20000x64xf32, #tpu.memory_space<hbm>> -> memref<16x64xf32, #tpu.memory_space<hbm>>
        %dma_wait3A_48 = arith.constant 0 : i32
        %dma_wait3A_49 = arith.constant 0 : i32
        %dma_wait3A_50 = tpu.memref_slice %arg13[%dma_wait3A_48, %dma_wait3A_49] : memref<624x64xf32, #tpu.memory_space<vmem>> -> memref<16x64xf32, #tpu.memory_space<vmem>>
        tpu.wait_dma2 semaphore(%run_scoped3A : memref<!tpu.dma_semaphore, #tpu.memory_space<semaphore_mem>>) src(%dma_wait3A_50 : memref<16x64xf32, #tpu.memory_space<vmem>>) dst(%dma_wait3A_47 : memref<16x64xf32, #tpu.memory_space<hbm>>)
        tpu.yield
      }) : () -> ()
      %eq3A_28 = arith.constant 0 : i32
      %eq3A_29 = arith.cmpi eq, %arg0, %eq3A_28 : i32
      %convert_element_type3A_30 = arith.extui %eq3A_29 : i1 to i32
      %cond3A_31 = arith.constant 0 : i32
      %cond3A_32 = arith.cmpi ne, %convert_element_type3A_30, %cond3A_31 : i32
      scf.if %cond3A_32 {
        "tpu.region"() ({
          %run_scoped3A = tpu.sem_alloc : memref<!tpu.dma_semaphore, #tpu.memory_space<semaphore_mem>>
          %dma_start3A = arith.constant 0 : i32
          %dma_start3A_33 = arith.constant 0 : i32
          %dma_start3A_34 = tpu.memref_slice %arg17[%dma_start3A, %dma_start3A_33] : memref<624x8xf32, #tpu.memory_space<vmem>> -> memref<16x8xf32, #tpu.memory_space<vmem>>
          %dma_start3A_35 = arith.constant 9984 : i32
          %dma_start3A_36 = arith.constant 0 : i32
          %dma_start3A_37 = tpu.memref_slice %arg18[%dma_start3A_35, %dma_start3A_36] : memref<10000x8xf32, #tpu.memory_space<vmem_shared>> -> memref<16x8xf32, #tpu.memory_space<vmem_shared>>
          %dma_start3A_38 = arith.constant 0 : i32
          %dma_start3A_39 = arith.constant 0 : i32
          %dma_start3A_40 = tpu.memref_slice %arg17[%dma_start3A_38, %dma_start3A_39] : memref<624x8xf32, #tpu.memory_space<vmem>> -> memref<16x8xf32, #tpu.memory_space<vmem>>
          %dma_start3A_41 = arith.constant 9984 : i32
          %dma_start3A_42 = arith.constant 0 : i32
          %dma_start3A_43 = tpu.memref_slice %arg18[%dma_start3A_41, %dma_start3A_42] : memref<10000x8xf32, #tpu.memory_space<vmem_shared>> -> memref<16x8xf32, #tpu.memory_space<vmem_shared>>
          tpu.enqueue_dma source(%dma_start3A_43 : memref<16x8xf32, #tpu.memory_space<vmem_shared>>) target(%dma_start3A_40 : memref<16x8xf32, #tpu.memory_space<vmem>>) target_semaphore(%run_scoped3A : memref<!tpu.dma_semaphore, #tpu.memory_space<semaphore_mem>>)
          %dma_wait3A = arith.constant 0 : i32
          %dma_wait3A_44 = arith.constant 0 : i32
          %dma_wait3A_45 = tpu.memref_slice %arg17[%dma_wait3A, %dma_wait3A_44] : memref<624x8xf32, #tpu.memory_space<vmem>> -> memref<16x8xf32, #tpu.memory_space<vmem>>
          %dma_wait3A_46 = arith.constant 9984 : i32
          %dma_wait3A_47 = arith.constant 0 : i32
          %dma_wait3A_48 = tpu.memref_slice %arg18[%dma_wait3A_46, %dma_wait3A_47] : memref<10000x8xf32, #tpu.memory_space<vmem_shared>> -> memref<16x8xf32, #tpu.memory_space<vmem_shared>>
          %dma_wait3A_49 = arith.constant 0 : i32
          %dma_wait3A_50 = arith.constant 0 : i32
          %dma_wait3A_51 = tpu.memref_slice %arg17[%dma_wait3A_49, %dma_wait3A_50] : memref<624x8xf32, #tpu.memory_space<vmem>> -> memref<16x8xf32, #tpu.memory_space<vmem>>
          %dma_wait3A_52 = arith.constant 9984 : i32
          %dma_wait3A_53 = arith.constant 0 : i32
          %dma_wait3A_54 = tpu.memref_slice %arg18[%dma_wait3A_52, %dma_wait3A_53] : memref<10000x8xf32, #tpu.memory_space<vmem_shared>> -> memref<16x8xf32, #tpu.memory_space<vmem_shared>>
          tpu.wait_dma2 semaphore(%run_scoped3A : memref<!tpu.dma_semaphore, #tpu.memory_space<semaphore_mem>>) src(%dma_wait3A_54 : memref<16x8xf32, #tpu.memory_space<vmem_shared>>) dst(%dma_wait3A_51 : memref<16x8xf32, #tpu.memory_space<vmem>>)
          tpu.yield
        }) : () -> ()
        "tpu.region"() ({
          %run_scoped3A = tpu.sem_alloc : memref<!tpu.dma_semaphore, #tpu.memory_space<semaphore_mem>>
          %dma_start3A = arith.constant 0 : i32
          %dma_start3A_33 = arith.constant 0 : i32
          %dma_start3A_34 = tpu.memref_slice %arg17[%dma_start3A, %dma_start3A_33] : memref<624x8xf32, #tpu.memory_space<vmem>> -> memref<16x8xf32, #tpu.memory_space<vmem>>
          %dma_start3A_35 = arith.constant 9984 : i32
          %dma_start3A_36 = arith.constant 0 : i32
          %dma_start3A_37 = tpu.memref_slice %arg9[%dma_start3A_35, %dma_start3A_36] : memref<10000x8xf32, #tpu.memory_space<hbm>> -> memref<16x8xf32, #tpu.memory_space<hbm>>
          %dma_start3A_38 = arith.constant 9984 : i32
          %dma_start3A_39 = arith.constant 0 : i32
          %dma_start3A_40 = tpu.memref_slice %arg9[%dma_start3A_38, %dma_start3A_39] : memref<10000x8xf32, #tpu.memory_space<hbm>> -> memref<16x8xf32, #tpu.memory_space<hbm>>
          %dma_start3A_41 = arith.constant 0 : i32
          %dma_start3A_42 = arith.constant 0 : i32
          %dma_start3A_43 = tpu.memref_slice %arg17[%dma_start3A_41, %dma_start3A_42] : memref<624x8xf32, #tpu.memory_space<vmem>> -> memref<16x8xf32, #tpu.memory_space<vmem>>
          tpu.enqueue_dma source(%dma_start3A_43 : memref<16x8xf32, #tpu.memory_space<vmem>>) target(%dma_start3A_40 : memref<16x8xf32, #tpu.memory_space<hbm>>) target_semaphore(%run_scoped3A : memref<!tpu.dma_semaphore, #tpu.memory_space<semaphore_mem>>)
          %dma_wait3A = arith.constant 0 : i32
          %dma_wait3A_44 = arith.constant 0 : i32
          %dma_wait3A_45 = tpu.memref_slice %arg17[%dma_wait3A, %dma_wait3A_44] : memref<624x8xf32, #tpu.memory_space<vmem>> -> memref<16x8xf32, #tpu.memory_space<vmem>>
          %dma_wait3A_46 = arith.constant 9984 : i32
          %dma_wait3A_47 = arith.constant 0 : i32
          %dma_wait3A_48 = tpu.memref_slice %arg9[%dma_wait3A_46, %dma_wait3A_47] : memref<10000x8xf32, #tpu.memory_space<hbm>> -> memref<16x8xf32, #tpu.memory_space<hbm>>
          %dma_wait3A_49 = arith.constant 9984 : i32
          %dma_wait3A_50 = arith.constant 0 : i32
          %dma_wait3A_51 = tpu.memref_slice %arg9[%dma_wait3A_49, %dma_wait3A_50] : memref<10000x8xf32, #tpu.memory_space<hbm>> -> memref<16x8xf32, #tpu.memory_space<hbm>>
          %dma_wait3A_52 = arith.constant 0 : i32
          %dma_wait3A_53 = arith.constant 0 : i32
          %dma_wait3A_54 = tpu.memref_slice %arg17[%dma_wait3A_52, %dma_wait3A_53] : memref<624x8xf32, #tpu.memory_space<vmem>> -> memref<16x8xf32, #tpu.memory_space<vmem>>
          tpu.wait_dma2 semaphore(%run_scoped3A : memref<!tpu.dma_semaphore, #tpu.memory_space<semaphore_mem>>) src(%dma_wait3A_54 : memref<16x8xf32, #tpu.memory_space<vmem>>) dst(%dma_wait3A_51 : memref<16x8xf32, #tpu.memory_space<hbm>>)
          tpu.yield
        }) : () -> ()
      } else {
      }
    } else {
    }
    return
  }
}

#map = affine_map<(d0, d1) -> (0, 0)>
#map1 = affine_map<(d0, d1) -> (0)>
module attributes {stable_mosaic.version = 14 : i64} {
  func.func @body(%arg0: i32, %arg1: i32, %arg2: memref<20000x64xf32, #tpu.memory_space<hbm>>, %arg3: memref<320000xi32, #tpu.memory_space<hbm>>, %arg4: memref<320000xi32, #tpu.memory_space<hbm>>, %arg5: memref<80x8xf32, #tpu.memory_space<hbm>>, %arg6: memref<624x64xf32, #tpu.memory_space<hbm>>, %arg7: memref<624x8xf32, #tpu.memory_space<hbm>>, %arg8: memref<20000x64xf32, #tpu.memory_space<hbm>>, %arg9: memref<80xi32, #tpu.memory_space<vmem>>, %arg10: memref<80xi32, #tpu.memory_space<vmem>>, %arg11: memref<80x64xf32, #tpu.memory_space<vmem>>, %arg12: memref<624x64xf32, #tpu.memory_space<vmem>>, %arg13: memref<10000x64xf32, #tpu.memory_space<vmem_shared>>, %arg14: memref<!tpu.dma_semaphore, #tpu.memory_space<semaphore_mem>>) attributes {dimension_semantics = [#tpu.dimension_semantics<core_parallel>, #tpu.dimension_semantics<subcore_parallel>], iteration_bounds = array<i64: 2, 16>, scalar_prefetch = 0 : i64, scratch_operands = 6 : i64, tpu.core_type = #tpu.core_type<sc_vector_subcore>, window_params = [{transform_indices = #map}, {transform_indices = #map1}, {transform_indices = #map1}, {transform_indices = #map}, {transform_indices = #map}, {transform_indices = #map}, {transform_indices = #map}]} {
    %mul3A = arith.constant 624 : i32
    %mul3A_0 = arith.muli %arg1, %mul3A : i32
    "tpu.region"() ({
      %run_scoped3A = tpu.sem_alloc : memref<!tpu.dma_semaphore, #tpu.memory_space<semaphore_mem>>
      tpu.enqueue_dma source(%arg6 : memref<624x64xf32, #tpu.memory_space<hbm>>) target(%arg12 : memref<624x64xf32, #tpu.memory_space<vmem>>) target_semaphore(%run_scoped3A : memref<!tpu.dma_semaphore, #tpu.memory_space<semaphore_mem>>)
      tpu.wait_dma2 semaphore(%run_scoped3A : memref<!tpu.dma_semaphore, #tpu.memory_space<semaphore_mem>>) src(%arg6 : memref<624x64xf32, #tpu.memory_space<hbm>>) dst(%arg12 : memref<624x64xf32, #tpu.memory_space<vmem>>)
      tpu.yield
    }) : () -> ()
    "tpu.region"() ({
      %run_scoped3A = tpu.sem_alloc : memref<!tpu.dma_semaphore, #tpu.memory_space<semaphore_mem>>
      %dma_start3A = arith.constant 0 : i32
      %dma_start3A_16 = tpu.memref_slice %arg13[%mul3A_0, %dma_start3A] : memref<10000x64xf32, #tpu.memory_space<vmem_shared>> -> memref<624x64xf32, #tpu.memory_space<vmem_shared>>
      %dma_start3A_17 = arith.constant 0 : i32
      %dma_start3A_18 = tpu.memref_slice %arg13[%mul3A_0, %dma_start3A_17] : memref<10000x64xf32, #tpu.memory_space<vmem_shared>> -> memref<624x64xf32, #tpu.memory_space<vmem_shared>>
      tpu.enqueue_dma source(%arg12 : memref<624x64xf32, #tpu.memory_space<vmem>>) target(%dma_start3A_18 : memref<624x64xf32, #tpu.memory_space<vmem_shared>>) target_semaphore(%run_scoped3A : memref<!tpu.dma_semaphore, #tpu.memory_space<semaphore_mem>>)
      %dma_wait3A = arith.constant 0 : i32
      %dma_wait3A_19 = tpu.memref_slice %arg13[%mul3A_0, %dma_wait3A] : memref<10000x64xf32, #tpu.memory_space<vmem_shared>> -> memref<624x64xf32, #tpu.memory_space<vmem_shared>>
      %dma_wait3A_20 = arith.constant 0 : i32
      %dma_wait3A_21 = tpu.memref_slice %arg13[%mul3A_0, %dma_wait3A_20] : memref<10000x64xf32, #tpu.memory_space<vmem_shared>> -> memref<624x64xf32, #tpu.memory_space<vmem_shared>>
      tpu.wait_dma2 semaphore(%run_scoped3A : memref<!tpu.dma_semaphore, #tpu.memory_space<semaphore_mem>>) src(%arg12 : memref<624x64xf32, #tpu.memory_space<vmem>>) dst(%dma_wait3A_21 : memref<624x64xf32, #tpu.memory_space<vmem_shared>>)
      tpu.yield
    }) : () -> ()
    %eq3A = arith.constant 15 : i32
    %eq3A_1 = arith.cmpi eq, %arg1, %eq3A : i32
    %convert_element_type3A = arith.extui %eq3A_1 : i1 to i32
    %cond3A = arith.constant 0 : i32
    %cond3A_2 = arith.cmpi ne, %convert_element_type3A, %cond3A : i32
    scf.if %cond3A_2 {
      "tpu.region"() ({
        %run_scoped3A = tpu.sem_alloc : memref<!tpu.dma_semaphore, #tpu.memory_space<semaphore_mem>>
        %dma_start3A = arith.constant 0 : i32
        %dma_start3A_16 = arith.constant 0 : i32
        %dma_start3A_17 = tpu.memref_slice %arg12[%dma_start3A, %dma_start3A_16] : memref<624x64xf32, #tpu.memory_space<vmem>> -> memref<16x64xf32, #tpu.memory_space<vmem>>
        %dma_start3A_18 = arith.constant 9984 : i32
        %dma_start3A_19 = arith.constant 0 : i32
        %dma_start3A_20 = tpu.memref_slice %arg13[%dma_start3A_18, %dma_start3A_19] : memref<10000x64xf32, #tpu.memory_space<vmem_shared>> -> memref<16x64xf32, #tpu.memory_space<vmem_shared>>
        %dma_start3A_21 = arith.constant 9984 : i32
        %dma_start3A_22 = arith.constant 0 : i32
        %dma_start3A_23 = tpu.memref_slice %arg13[%dma_start3A_21, %dma_start3A_22] : memref<10000x64xf32, #tpu.memory_space<vmem_shared>> -> memref<16x64xf32, #tpu.memory_space<vmem_shared>>
        %dma_start3A_24 = arith.constant 0 : i32
        %dma_start3A_25 = arith.constant 0 : i32
        %dma_start3A_26 = tpu.memref_slice %arg12[%dma_start3A_24, %dma_start3A_25] : memref<624x64xf32, #tpu.memory_space<vmem>> -> memref<16x64xf32, #tpu.memory_space<vmem>>
        tpu.enqueue_dma source(%dma_start3A_26 : memref<16x64xf32, #tpu.memory_space<vmem>>) target(%dma_start3A_23 : memref<16x64xf32, #tpu.memory_space<vmem_shared>>) target_semaphore(%run_scoped3A : memref<!tpu.dma_semaphore, #tpu.memory_space<semaphore_mem>>)
        %dma_wait3A = arith.constant 0 : i32
        %dma_wait3A_27 = arith.constant 0 : i32
        %dma_wait3A_28 = tpu.memref_slice %arg12[%dma_wait3A, %dma_wait3A_27] : memref<624x64xf32, #tpu.memory_space<vmem>> -> memref<16x64xf32, #tpu.memory_space<vmem>>
        %dma_wait3A_29 = arith.constant 9984 : i32
        %dma_wait3A_30 = arith.constant 0 : i32
        %dma_wait3A_31 = tpu.memref_slice %arg13[%dma_wait3A_29, %dma_wait3A_30] : memref<10000x64xf32, #tpu.memory_space<vmem_shared>> -> memref<16x64xf32, #tpu.memory_space<vmem_shared>>
        %dma_wait3A_32 = arith.constant 9984 : i32
        %dma_wait3A_33 = arith.constant 0 : i32
        %dma_wait3A_34 = tpu.memref_slice %arg13[%dma_wait3A_32, %dma_wait3A_33] : memref<10000x64xf32, #tpu.memory_space<vmem_shared>> -> memref<16x64xf32, #tpu.memory_space<vmem_shared>>
        %dma_wait3A_35 = arith.constant 0 : i32
        %dma_wait3A_36 = arith.constant 0 : i32
        %dma_wait3A_37 = tpu.memref_slice %arg12[%dma_wait3A_35, %dma_wait3A_36] : memref<624x64xf32, #tpu.memory_space<vmem>> -> memref<16x64xf32, #tpu.memory_space<vmem>>
        tpu.wait_dma2 semaphore(%run_scoped3A : memref<!tpu.dma_semaphore, #tpu.memory_space<semaphore_mem>>) src(%dma_wait3A_37 : memref<16x64xf32, #tpu.memory_space<vmem>>) dst(%dma_wait3A_34 : memref<16x64xf32, #tpu.memory_space<vmem_shared>>)
        tpu.yield
      }) : () -> ()
    } else {
    }
    %barrier3A = arith.constant 0 : index
    tpu.barrier barrier_id(%barrier3A)
    %mul3A_3 = arith.constant 10000 : i32
    %mul3A_4 = arith.muli %arg0, %mul3A_3 : i32
    %scan3A = arith.constant 0 : i32
    %scan3A_5 = arith.constant 0 : i32
    %scan3A_6 = arith.constant 250 : i32
    %scan3A_7 = arith.addi %scan3A_5, %scan3A_6 : i32
    %scan3A_8 = arith.constant 1 : i32
    scf.for %scan3A_16 = %scan3A_5 to %scan3A_7 step %scan3A_8  : i32 {
      %mul3A_17 = arith.constant 20000 : i32
      %mul3A_18 = arith.muli %arg1, %mul3A_17 : i32
      %mul3A_19 = arith.constant 80 : i32
      %mul3A_20 = arith.muli %scan3A_16, %mul3A_19 : i32
      %add3A_21 = arith.addi %mul3A_18, %mul3A_20 : i32
      "tpu.region"() ({
        %run_scoped3A = tpu.sem_alloc : memref<!tpu.dma_semaphore, #tpu.memory_space<semaphore_mem>>
        %dma_start3A_69 = tpu.memref_slice %arg3[%add3A_21] : memref<320000xi32, #tpu.memory_space<hbm>> -> memref<80xi32, #tpu.memory_space<hbm>>
        %dma_start3A_70 = tpu.memref_slice %arg3[%add3A_21] : memref<320000xi32, #tpu.memory_space<hbm>> -> memref<80xi32, #tpu.memory_space<hbm>>
        tpu.enqueue_dma source(%dma_start3A_70 : memref<80xi32, #tpu.memory_space<hbm>>) target(%arg9 : memref<80xi32, #tpu.memory_space<vmem>>) target_semaphore(%run_scoped3A : memref<!tpu.dma_semaphore, #tpu.memory_space<semaphore_mem>>)
        %dma_wait3A_71 = tpu.memref_slice %arg3[%add3A_21] : memref<320000xi32, #tpu.memory_space<hbm>> -> memref<80xi32, #tpu.memory_space<hbm>>
        %dma_wait3A_72 = tpu.memref_slice %arg3[%add3A_21] : memref<320000xi32, #tpu.memory_space<hbm>> -> memref<80xi32, #tpu.memory_space<hbm>>
        tpu.wait_dma2 semaphore(%run_scoped3A : memref<!tpu.dma_semaphore, #tpu.memory_space<semaphore_mem>>) src(%dma_wait3A_72 : memref<80xi32, #tpu.memory_space<hbm>>) dst(%arg9 : memref<80xi32, #tpu.memory_space<vmem>>)
        tpu.yield
      }) : () -> ()
      "tpu.region"() ({
        %run_scoped3A = tpu.sem_alloc : memref<!tpu.dma_semaphore, #tpu.memory_space<semaphore_mem>>
        %dma_start3A_69 = tpu.memref_slice %arg4[%add3A_21] : memref<320000xi32, #tpu.memory_space<hbm>> -> memref<80xi32, #tpu.memory_space<hbm>>
        %dma_start3A_70 = tpu.memref_slice %arg4[%add3A_21] : memref<320000xi32, #tpu.memory_space<hbm>> -> memref<80xi32, #tpu.memory_space<hbm>>
        tpu.enqueue_dma source(%dma_start3A_70 : memref<80xi32, #tpu.memory_space<hbm>>) target(%arg10 : memref<80xi32, #tpu.memory_space<vmem>>) target_semaphore(%run_scoped3A : memref<!tpu.dma_semaphore, #tpu.memory_space<semaphore_mem>>)
        %dma_wait3A_71 = tpu.memref_slice %arg4[%add3A_21] : memref<320000xi32, #tpu.memory_space<hbm>> -> memref<80xi32, #tpu.memory_space<hbm>>
        %dma_wait3A_72 = tpu.memref_slice %arg4[%add3A_21] : memref<320000xi32, #tpu.memory_space<hbm>> -> memref<80xi32, #tpu.memory_space<hbm>>
        tpu.wait_dma2 semaphore(%run_scoped3A : memref<!tpu.dma_semaphore, #tpu.memory_space<semaphore_mem>>) src(%dma_wait3A_72 : memref<80xi32, #tpu.memory_space<hbm>>) dst(%arg10 : memref<80xi32, #tpu.memory_space<vmem>>)
        tpu.yield
      }) : () -> ()
      %get3A = arith.constant 0 : index
      %get3A_22 = tpu.vector_load %arg9[%get3A] {strides = array<i32>} : memref<80xi32, #tpu.memory_space<vmem>>, vector<16xi32>,
      %get3A_23 = vector.shape_cast %get3A_22 : vector<16xi32> to vector<16xi32>
      %add3A_24 = vector.broadcast %mul3A_4 : i32 to vector<16xi32>
      %add3A_25 = arith.addi %get3A_23, %add3A_24 : vector<16xi32>
      %swap3A = arith.constant 0 : index
      %swap3A_26 = tpu.vector_load %arg9[%swap3A] {strides = array<i32>} : memref<80xi32, #tpu.memory_space<vmem>>, vector<16xi32>,
      %swap3A_27 = vector.shape_cast %swap3A_26 : vector<16xi32> to vector<16xi32>
      %swap3A_28 = vector.shape_cast %add3A_25 : vector<16xi32> to vector<16xi32>
      tpu.vector_store %arg9[%swap3A], %swap3A_28 {strides = array<i32>} : memref<80xi32, #tpu.memory_space<vmem>>, vector<16xi32>,
      %get3A_29 = arith.constant 16 : index
      %get3A_30 = tpu.vector_load %arg9[%get3A_29] {strides = array<i32>} : memref<80xi32, #tpu.memory_space<vmem>>, vector<16xi32>,
      %get3A_31 = vector.shape_cast %get3A_30 : vector<16xi32> to vector<16xi32>
      %add3A_32 = vector.broadcast %mul3A_4 : i32 to vector<16xi32>
      %add3A_33 = arith.addi %get3A_31, %add3A_32 : vector<16xi32>
      %swap3A_34 = arith.constant 16 : index
      %swap3A_35 = tpu.vector_load %arg9[%swap3A_34] {strides = array<i32>} : memref<80xi32, #tpu.memory_space<vmem>>, vector<16xi32>,
      %swap3A_36 = vector.shape_cast %swap3A_35 : vector<16xi32> to vector<16xi32>
      %swap3A_37 = vector.shape_cast %add3A_33 : vector<16xi32> to vector<16xi32>
      tpu.vector_store %arg9[%swap3A_34], %swap3A_37 {strides = array<i32>} : memref<80xi32, #tpu.memory_space<vmem>>, vector<16xi32>,
      %get3A_38 = arith.constant 32 : index
      %get3A_39 = tpu.vector_load %arg9[%get3A_38] {strides = array<i32>} : memref<80xi32, #tpu.memory_space<vmem>>, vector<16xi32>,
      %get3A_40 = vector.shape_cast %get3A_39 : vector<16xi32> to vector<16xi32>
      %add3A_41 = vector.broadcast %mul3A_4 : i32 to vector<16xi32>
      %add3A_42 = arith.addi %get3A_40, %add3A_41 : vector<16xi32>
      %swap3A_43 = arith.constant 32 : index
      %swap3A_44 = tpu.vector_load %arg9[%swap3A_43] {strides = array<i32>} : memref<80xi32, #tpu.memory_space<vmem>>, vector<16xi32>,
      %swap3A_45 = vector.shape_cast %swap3A_44 : vector<16xi32> to vector<16xi32>
      %swap3A_46 = vector.shape_cast %add3A_42 : vector<16xi32> to vector<16xi32>
      tpu.vector_store %arg9[%swap3A_43], %swap3A_46 {strides = array<i32>} : memref<80xi32, #tpu.memory_space<vmem>>, vector<16xi32>,
      %get3A_47 = arith.constant 48 : index
      %get3A_48 = tpu.vector_load %arg9[%get3A_47] {strides = array<i32>} : memref<80xi32, #tpu.memory_space<vmem>>, vector<16xi32>,
      %get3A_49 = vector.shape_cast %get3A_48 : vector<16xi32> to vector<16xi32>
      %add3A_50 = vector.broadcast %mul3A_4 : i32 to vector<16xi32>
      %add3A_51 = arith.addi %get3A_49, %add3A_50 : vector<16xi32>
      %swap3A_52 = arith.constant 48 : index
      %swap3A_53 = tpu.vector_load %arg9[%swap3A_52] {strides = array<i32>} : memref<80xi32, #tpu.memory_space<vmem>>, vector<16xi32>,
      %swap3A_54 = vector.shape_cast %swap3A_53 : vector<16xi32> to vector<16xi32>
      %swap3A_55 = vector.shape_cast %add3A_51 : vector<16xi32> to vector<16xi32>
      tpu.vector_store %arg9[%swap3A_52], %swap3A_55 {strides = array<i32>} : memref<80xi32, #tpu.memory_space<vmem>>, vector<16xi32>,
      %get3A_56 = arith.constant 64 : index
      %get3A_57 = tpu.vector_load %arg9[%get3A_56] {strides = array<i32>} : memref<80xi32, #tpu.memory_space<vmem>>, vector<16xi32>,
      %get3A_58 = vector.shape_cast %get3A_57 : vector<16xi32> to vector<16xi32>
      %add3A_59 = vector.broadcast %mul3A_4 : i32 to vector<16xi32>
      %add3A_60 = arith.addi %get3A_58, %add3A_59 : vector<16xi32>
      %swap3A_61 = arith.constant 64 : index
      %swap3A_62 = tpu.vector_load %arg9[%swap3A_61] {strides = array<i32>} : memref<80xi32, #tpu.memory_space<vmem>>, vector<16xi32>,
      %swap3A_63 = vector.shape_cast %swap3A_62 : vector<16xi32> to vector<16xi32>
      %swap3A_64 = vector.shape_cast %add3A_60 : vector<16xi32> to vector<16xi32>
      tpu.vector_store %arg9[%swap3A_61], %swap3A_64 {strides = array<i32>} : memref<80xi32, #tpu.memory_space<vmem>>, vector<16xi32>,
      %dma_start3A = arith.constant 0 : i32
      %dma_start3A_65 = arith.constant 0 : i32
      %dma_start3A_66 = tpu.memref_slice %arg2[%dma_start3A, %dma_start3A_65] : memref<20000x64xf32, #tpu.memory_space<hbm>> -> memref<20000x64xf32, #tpu.memory_space<hbm>>
      tpu.enqueue_indirect_dma source(%dma_start3A_66 : memref<20000x64xf32, #tpu.memory_space<hbm>>) target(%arg11 : memref<80x64xf32, #tpu.memory_space<vmem>>) offsets(%arg9 : memref<80xi32, #tpu.memory_space<vmem>>) semaphore(%arg14 : memref<!tpu.dma_semaphore, #tpu.memory_space<semaphore_mem>>)
      %dma_wait3A = arith.constant 0 : i32
      %dma_wait3A_67 = arith.constant 0 : i32
      %dma_wait3A_68 = tpu.memref_slice %arg2[%dma_wait3A, %dma_wait3A_67] : memref<20000x64xf32, #tpu.memory_space<hbm>> -> memref<20000x64xf32, #tpu.memory_space<hbm>>
      tpu.wait_indirect_dma semaphore(%arg14 : memref<!tpu.dma_semaphore, #tpu.memory_space<semaphore_mem>>) src(%dma_wait3A_68 : memref<20000x64xf32, #tpu.memory_space<hbm>>) dst(%arg11 : memref<80x64xf32, #tpu.memory_space<vmem>>)
      "tpu.region"() ({
        %run_scoped3A = tpu.sem_alloc : memref<!tpu.dma_semaphore, #tpu.memory_space<semaphore_mem>>
        %dma_start3A_69 = arith.constant 0 : i32
        %dma_start3A_70 = arith.constant 0 : i32
        %dma_start3A_71 = tpu.memref_slice %arg13[%dma_start3A_69, %dma_start3A_70] : memref<10000x64xf32, #tpu.memory_space<vmem_shared>> -> memref<10000x64xf32, #tpu.memory_space<vmem_shared>>
        tpu.enqueue_indirect_dma source(%arg11 : memref<80x64xf32, #tpu.memory_space<vmem>>) target(%dma_start3A_71 : memref<10000x64xf32, #tpu.memory_space<vmem_shared>>) offsets(%arg10 : memref<80xi32, #tpu.memory_space<vmem>>) semaphore(%run_scoped3A : memref<!tpu.dma_semaphore, #tpu.memory_space<semaphore_mem>>) {add = true}
        %dma_wait3A_72 = arith.constant 0 : i32
        %dma_wait3A_73 = arith.constant 0 : i32
        %dma_wait3A_74 = tpu.memref_slice %arg13[%dma_wait3A_72, %dma_wait3A_73] : memref<10000x64xf32, #tpu.memory_space<vmem_shared>> -> memref<10000x64xf32, #tpu.memory_space<vmem_shared>>
        tpu.wait_indirect_dma semaphore(%run_scoped3A : memref<!tpu.dma_semaphore, #tpu.memory_space<semaphore_mem>>) src(%arg11 : memref<80x64xf32, #tpu.memory_space<vmem>>) dst(%dma_wait3A_74 : memref<10000x64xf32, #tpu.memory_space<vmem_shared>>)
        tpu.yield
      }) : () -> ()
    }
    %scan3A_9 = arith.constant 250 : i32
    %barrier3A_10 = arith.constant 0 : index
    tpu.barrier barrier_id(%barrier3A_10)
    "tpu.region"() ({
      %run_scoped3A = tpu.sem_alloc : memref<!tpu.dma_semaphore, #tpu.memory_space<semaphore_mem>>
      %dma_start3A = arith.constant 0 : i32
      %dma_start3A_16 = tpu.memref_slice %arg13[%mul3A_0, %dma_start3A] : memref<10000x64xf32, #tpu.memory_space<vmem_shared>> -> memref<624x64xf32, #tpu.memory_space<vmem_shared>>
      %dma_start3A_17 = arith.constant 0 : i32
      %dma_start3A_18 = tpu.memref_slice %arg13[%mul3A_0, %dma_start3A_17] : memref<10000x64xf32, #tpu.memory_space<vmem_shared>> -> memref<624x64xf32, #tpu.memory_space<vmem_shared>>
      tpu.enqueue_dma source(%dma_start3A_18 : memref<624x64xf32, #tpu.memory_space<vmem_shared>>) target(%arg12 : memref<624x64xf32, #tpu.memory_space<vmem>>) target_semaphore(%run_scoped3A : memref<!tpu.dma_semaphore, #tpu.memory_space<semaphore_mem>>)
      %dma_wait3A = arith.constant 0 : i32
      %dma_wait3A_19 = tpu.memref_slice %arg13[%mul3A_0, %dma_wait3A] : memref<10000x64xf32, #tpu.memory_space<vmem_shared>> -> memref<624x64xf32, #tpu.memory_space<vmem_shared>>
      %dma_wait3A_20 = arith.constant 0 : i32
      %dma_wait3A_21 = tpu.memref_slice %arg13[%mul3A_0, %dma_wait3A_20] : memref<10000x64xf32, #tpu.memory_space<vmem_shared>> -> memref<624x64xf32, #tpu.memory_space<vmem_shared>>
      tpu.wait_dma2 semaphore(%run_scoped3A : memref<!tpu.dma_semaphore, #tpu.memory_space<semaphore_mem>>) src(%dma_wait3A_21 : memref<624x64xf32, #tpu.memory_space<vmem_shared>>) dst(%arg12 : memref<624x64xf32, #tpu.memory_space<vmem>>)
      tpu.yield
    }) : () -> ()
    %add3A = arith.addi %mul3A_4, %mul3A_0 : i32
    "tpu.region"() ({
      %run_scoped3A = tpu.sem_alloc : memref<!tpu.dma_semaphore, #tpu.memory_space<semaphore_mem>>
      %dma_start3A = arith.constant 0 : i32
      %dma_start3A_16 = tpu.memref_slice %arg8[%add3A, %dma_start3A] : memref<20000x64xf32, #tpu.memory_space<hbm>> -> memref<624x64xf32, #tpu.memory_space<hbm>>
      %dma_start3A_17 = arith.constant 0 : i32
      %dma_start3A_18 = tpu.memref_slice %arg8[%add3A, %dma_start3A_17] : memref<20000x64xf32, #tpu.memory_space<hbm>> -> memref<624x64xf32, #tpu.memory_space<hbm>>
      tpu.enqueue_dma source(%arg12 : memref<624x64xf32, #tpu.memory_space<vmem>>) target(%dma_start3A_18 : memref<624x64xf32, #tpu.memory_space<hbm>>) target_semaphore(%run_scoped3A : memref<!tpu.dma_semaphore, #tpu.memory_space<semaphore_mem>>)
      %dma_wait3A = arith.constant 0 : i32
      %dma_wait3A_19 = tpu.memref_slice %arg8[%add3A, %dma_wait3A] : memref<20000x64xf32, #tpu.memory_space<hbm>> -> memref<624x64xf32, #tpu.memory_space<hbm>>
      %dma_wait3A_20 = arith.constant 0 : i32
      %dma_wait3A_21 = tpu.memref_slice %arg8[%add3A, %dma_wait3A_20] : memref<20000x64xf32, #tpu.memory_space<hbm>> -> memref<624x64xf32, #tpu.memory_space<hbm>>
      tpu.wait_dma2 semaphore(%run_scoped3A : memref<!tpu.dma_semaphore, #tpu.memory_space<semaphore_mem>>) src(%arg12 : memref<624x64xf32, #tpu.memory_space<vmem>>) dst(%dma_wait3A_21 : memref<624x64xf32, #tpu.memory_space<hbm>>)
      tpu.yield
    }) : () -> ()
    %eq3A_11 = arith.constant 15 : i32
    %eq3A_12 = arith.cmpi eq, %arg1, %eq3A_11 : i32
    %convert_element_type3A_13 = arith.extui %eq3A_12 : i1 to i32
    %cond3A_14 = arith.constant 0 : i32
    %cond3A_15 = arith.cmpi ne, %convert_element_type3A_13, %cond3A_14 : i32
    scf.if %cond3A_15 {
      "tpu.region"() ({
        %run_scoped3A = tpu.sem_alloc : memref<!tpu.dma_semaphore, #tpu.memory_space<semaphore_mem>>
        %dma_start3A = arith.constant 0 : i32
        %dma_start3A_18 = arith.constant 0 : i32
        %dma_start3A_19 = tpu.memref_slice %arg12[%dma_start3A, %dma_start3A_18] : memref<624x64xf32, #tpu.memory_space<vmem>> -> memref<16x64xf32, #tpu.memory_space<vmem>>
        %dma_start3A_20 = arith.constant 9984 : i32
        %dma_start3A_21 = arith.constant 0 : i32
        %dma_start3A_22 = tpu.memref_slice %arg13[%dma_start3A_20, %dma_start3A_21] : memref<10000x64xf32, #tpu.memory_space<vmem_shared>> -> memref<16x64xf32, #tpu.memory_space<vmem_shared>>
        %dma_start3A_23 = arith.constant 0 : i32
        %dma_start3A_24 = arith.constant 0 : i32
        %dma_start3A_25 = tpu.memref_slice %arg12[%dma_start3A_23, %dma_start3A_24] : memref<624x64xf32, #tpu.memory_space<vmem>> -> memref<16x64xf32, #tpu.memory_space<vmem>>
        %dma_start3A_26 = arith.constant 9984 : i32
        %dma_start3A_27 = arith.constant 0 : i32
        %dma_start3A_28 = tpu.memref_slice %arg13[%dma_start3A_26, %dma_start3A_27] : memref<10000x64xf32, #tpu.memory_space<vmem_shared>> -> memref<16x64xf32, #tpu.memory_space<vmem_shared>>
        tpu.enqueue_dma source(%dma_start3A_28 : memref<16x64xf32, #tpu.memory_space<vmem_shared>>) target(%dma_start3A_25 : memref<16x64xf32, #tpu.memory_space<vmem>>) target_semaphore(%run_scoped3A : memref<!tpu.dma_semaphore, #tpu.memory_space<semaphore_mem>>)
        %dma_wait3A = arith.constant 0 : i32
        %dma_wait3A_29 = arith.constant 0 : i32
        %dma_wait3A_30 = tpu.memref_slice %arg12[%dma_wait3A, %dma_wait3A_29] : memref<624x64xf32, #tpu.memory_space<vmem>> -> memref<16x64xf32, #tpu.memory_space<vmem>>
        %dma_wait3A_31 = arith.constant 9984 : i32
        %dma_wait3A_32 = arith.constant 0 : i32
        %dma_wait3A_33 = tpu.memref_slice %arg13[%dma_wait3A_31, %dma_wait3A_32] : memref<10000x64xf32, #tpu.memory_space<vmem_shared>> -> memref<16x64xf32, #tpu.memory_space<vmem_shared>>
        %dma_wait3A_34 = arith.constant 0 : i32
        %dma_wait3A_35 = arith.constant 0 : i32
        %dma_wait3A_36 = tpu.memref_slice %arg12[%dma_wait3A_34, %dma_wait3A_35] : memref<624x64xf32, #tpu.memory_space<vmem>> -> memref<16x64xf32, #tpu.memory_space<vmem>>
        %dma_wait3A_37 = arith.constant 9984 : i32
        %dma_wait3A_38 = arith.constant 0 : i32
        %dma_wait3A_39 = tpu.memref_slice %arg13[%dma_wait3A_37, %dma_wait3A_38] : memref<10000x64xf32, #tpu.memory_space<vmem_shared>> -> memref<16x64xf32, #tpu.memory_space<vmem_shared>>
        tpu.wait_dma2 semaphore(%run_scoped3A : memref<!tpu.dma_semaphore, #tpu.memory_space<semaphore_mem>>) src(%dma_wait3A_39 : memref<16x64xf32, #tpu.memory_space<vmem_shared>>) dst(%dma_wait3A_36 : memref<16x64xf32, #tpu.memory_space<vmem>>)
        tpu.yield
      }) : () -> ()
      %add3A_16 = arith.constant 9984 : i32
      %add3A_17 = arith.addi %mul3A_4, %add3A_16 : i32
      "tpu.region"() ({
        %run_scoped3A = tpu.sem_alloc : memref<!tpu.dma_semaphore, #tpu.memory_space<semaphore_mem>>
        %dma_start3A = arith.constant 0 : i32
        %dma_start3A_18 = arith.constant 0 : i32
        %dma_start3A_19 = tpu.memref_slice %arg12[%dma_start3A, %dma_start3A_18] : memref<624x64xf32, #tpu.memory_space<vmem>> -> memref<16x64xf32, #tpu.memory_space<vmem>>
        %dma_start3A_20 = arith.constant 0 : i32
        %dma_start3A_21 = tpu.memref_slice %arg8[%add3A_17, %dma_start3A_20] : memref<20000x64xf32, #tpu.memory_space<hbm>> -> memref<16x64xf32, #tpu.memory_space<hbm>>
        %dma_start3A_22 = arith.constant 0 : i32
        %dma_start3A_23 = tpu.memref_slice %arg8[%add3A_17, %dma_start3A_22] : memref<20000x64xf32, #tpu.memory_space<hbm>> -> memref<16x64xf32, #tpu.memory_space<hbm>>
        %dma_start3A_24 = arith.constant 0 : i32
        %dma_start3A_25 = arith.constant 0 : i32
        %dma_start3A_26 = tpu.memref_slice %arg12[%dma_start3A_24, %dma_start3A_25] : memref<624x64xf32, #tpu.memory_space<vmem>> -> memref<16x64xf32, #tpu.memory_space<vmem>>
        tpu.enqueue_dma source(%dma_start3A_26 : memref<16x64xf32, #tpu.memory_space<vmem>>) target(%dma_start3A_23 : memref<16x64xf32, #tpu.memory_space<hbm>>) target_semaphore(%run_scoped3A : memref<!tpu.dma_semaphore, #tpu.memory_space<semaphore_mem>>)
        %dma_wait3A = arith.constant 0 : i32
        %dma_wait3A_27 = arith.constant 0 : i32
        %dma_wait3A_28 = tpu.memref_slice %arg12[%dma_wait3A, %dma_wait3A_27] : memref<624x64xf32, #tpu.memory_space<vmem>> -> memref<16x64xf32, #tpu.memory_space<vmem>>
        %dma_wait3A_29 = arith.constant 0 : i32
        %dma_wait3A_30 = tpu.memref_slice %arg8[%add3A_17, %dma_wait3A_29] : memref<20000x64xf32, #tpu.memory_space<hbm>> -> memref<16x64xf32, #tpu.memory_space<hbm>>
        %dma_wait3A_31 = arith.constant 0 : i32
        %dma_wait3A_32 = tpu.memref_slice %arg8[%add3A_17, %dma_wait3A_31] : memref<20000x64xf32, #tpu.memory_space<hbm>> -> memref<16x64xf32, #tpu.memory_space<hbm>>
        %dma_wait3A_33 = arith.constant 0 : i32
        %dma_wait3A_34 = arith.constant 0 : i32
        %dma_wait3A_35 = tpu.memref_slice %arg12[%dma_wait3A_33, %dma_wait3A_34] : memref<624x64xf32, #tpu.memory_space<vmem>> -> memref<16x64xf32, #tpu.memory_space<vmem>>
        tpu.wait_dma2 semaphore(%run_scoped3A : memref<!tpu.dma_semaphore, #tpu.memory_space<semaphore_mem>>) src(%dma_wait3A_35 : memref<16x64xf32, #tpu.memory_space<vmem>>) dst(%dma_wait3A_32 : memref<16x64xf32, #tpu.memory_space<hbm>>)
        tpu.yield
      }) : () -> ()
    } else {
    }
    return
  }
}

module attributes {stable_mosaic.version = 14 : i64} {
  func.func @_dense_body(%arg0: i32, %arg1: memref<2x2000x64xf32, #tpu.memory_space<vmem>>, %arg2: memref<2000x8xf32, #tpu.memory_space<vmem>>, %arg3: memref<2000x128xf32, #tpu.memory_space<vmem>>, %arg4: memref<128x128xf32, #tpu.memory_space<vmem>>, %arg5: memref<128x128xf32, #tpu.memory_space<vmem>>, %arg6: memref<1x128xf32, #tpu.memory_space<vmem>>, %arg7: memref<2x2000x64xf32, #tpu.memory_space<vmem>>) attributes {dimension_semantics = [#tpu.dimension_semantics<arbitrary>], iteration_bounds = array<i64: 5>, scalar_prefetch = 0 : i64, scratch_operands = 0 : i64, tpu.core_type = #tpu.core_type<tc>, window_params = [{transform_indices = @transform_0, window_bounds = array<i64: 2, 2000, 64>}, {transform_indices = @transform_1, window_bounds = array<i64: 2000, 8>}, {transform_indices = @transform_2, window_bounds = array<i64: 2000, 128>}, {pipeline_mode = #tpu.pipeline_mode<synchronous>, transform_indices = @transform_3, window_bounds = array<i64: 128, 128>}, {pipeline_mode = #tpu.pipeline_mode<synchronous>, transform_indices = @transform_4, window_bounds = array<i64: 128, 128>}, {pipeline_mode = #tpu.pipeline_mode<synchronous>, transform_indices = @transform_5, window_bounds = array<i64: 1, 128>}, {transform_indices = @transform_6, window_bounds = array<i64: 2, 2000, 64>}]} {
    %get3A = arith.constant 0 : index
    %get3A_0 = arith.constant 0 : index
    %get3A_1 = vector.load %arg2[%get3A, %get3A_0] : memref<2000x8xf32, #tpu.memory_space<vmem>>, vector<2000x1xf32>
    %max3A = arith.constant 1.000000e+00 : f32
    %max3A_2 = vector.broadcast %max3A : f32 to vector<2000x1xf32>
    %max3A_3 = arith.maximumf %get3A_1, %max3A_2 : vector<2000x1xf32>
    %div3A = arith.constant 1.000000e+00 : f32
    %div3A_4 = vector.broadcast %div3A : f32 to vector<2000x1xf32>
    %div3A_5 = arith.divf %div3A_4, %max3A_3 : vector<2000x1xf32>
    %get3A_6 = arith.constant 0 : index
    %get3A_7 = arith.constant 0 : index
    %get3A_8 = arith.constant 0 : index
    %get3A_9 = vector.load %arg1[%get3A_6, %get3A_7, %get3A_8] : memref<2x2000x64xf32, #tpu.memory_space<vmem>>, vector<1x2000x64xf32>
    %get3A_10 = vector.shape_cast %get3A_9 : vector<1x2000x64xf32> to vector<2000x64xf32>
    %mul3A = vector.broadcast %div3A_5 : vector<2000x1xf32> to vector<2000x64xf32>
    %mul3A_11 = arith.mulf %get3A_10, %mul3A : vector<2000x64xf32>
    %get3A_12 = arith.constant 0 : index
    %get3A_13 = arith.constant 0 : index
    %get3A_14 = vector.load %arg4[%get3A_12, %get3A_13] : memref<128x128xf32, #tpu.memory_space<vmem>>, vector<64x128xf32>
    %dot_general3A = arith.constant dense<0.000000e+00> : vector<2000x128xf32>
    %dot_general3A_15 = tpu.matmul %mul3A_11, %get3A_14, %dot_general3A {dimension_numbers = #tpu.dot_dimension_numbers<[1], [0], [0], [1], [0, 0, 1, 1], [], []>, precision = #tpu.contract_precision<fp32>, transpose_lhs_hint = false} : vector<2000x64xf32>, vector<64x128xf32>, vector<2000x128xf32> -> vector<2000x128xf32>
    %get3A_16 = arith.constant 1 : index
    %get3A_17 = arith.constant 0 : index
    %get3A_18 = arith.constant 0 : index
    %get3A_19 = vector.load %arg1[%get3A_16, %get3A_17, %get3A_18] : memref<2x2000x64xf32, #tpu.memory_space<vmem>>, vector<1x2000x64xf32>
    %get3A_20 = vector.shape_cast %get3A_19 : vector<1x2000x64xf32> to vector<2000x64xf32>
    %mul3A_21 = vector.broadcast %div3A_5 : vector<2000x1xf32> to vector<2000x64xf32>
    %mul3A_22 = arith.mulf %get3A_20, %mul3A_21 : vector<2000x64xf32>
    %get3A_23 = arith.constant 64 : index
    %get3A_24 = arith.constant 0 : index
    %get3A_25 = vector.load %arg4[%get3A_23, %get3A_24] : memref<128x128xf32, #tpu.memory_space<vmem>>, vector<64x128xf32>
    %dot_general3A_26 = arith.constant dense<0.000000e+00> : vector<2000x128xf32>
    %dot_general3A_27 = tpu.matmul %mul3A_22, %get3A_25, %dot_general3A_26 {dimension_numbers = #tpu.dot_dimension_numbers<[1], [0], [0], [1], [0, 0, 1, 1], [], []>, precision = #tpu.contract_precision<fp32>, transpose_lhs_hint = false} : vector<2000x64xf32>, vector<64x128xf32>, vector<2000x128xf32> -> vector<2000x128xf32>
    %add3A = arith.addf %dot_general3A_15, %dot_general3A_27 : vector<2000x128xf32>
    %get3A_28 = arith.constant 0 : index
    %get3A_29 = arith.constant 0 : index
    %get3A_30 = vector.load %arg3[%get3A_28, %get3A_29] : memref<2000x128xf32, #tpu.memory_space<vmem>>, vector<2000x128xf32>
    %get3A_31 = arith.constant 0 : index
    %get3A_32 = arith.constant 0 : index
    %get3A_33 = vector.load %arg5[%get3A_31, %get3A_32] : memref<128x128xf32, #tpu.memory_space<vmem>>, vector<128x128xf32>
    %dot_general3A_34 = arith.constant dense<0.000000e+00> : vector<2000x128xf32>
    %dot_general3A_35 = tpu.matmul %get3A_30, %get3A_33, %dot_general3A_34 {dimension_numbers = #tpu.dot_dimension_numbers<[1], [0], [0], [1], [0, 0, 1, 1], [], []>, precision = #tpu.contract_precision<fp32>, transpose_lhs_hint = false} : vector<2000x128xf32>, vector<128x128xf32>, vector<2000x128xf32> -> vector<2000x128xf32>
    %add3A_36 = arith.addf %add3A, %dot_general3A_35 : vector<2000x128xf32>
    %get3A_37 = arith.constant 0 : index
    %get3A_38 = arith.constant 0 : index
    %get3A_39 = vector.load %arg6[%get3A_37, %get3A_38] : memref<1x128xf32, #tpu.memory_space<vmem>>, vector<1x128xf32>
    %add3A_40 = vector.broadcast %get3A_39 : vector<1x128xf32> to vector<2000x128xf32>
    %add3A_41 = arith.addf %add3A_36, %add3A_40 : vector<2000x128xf32>
    %max3A_42 = arith.constant 0.000000e+00 : f32
    %max3A_43 = vector.broadcast %max3A_42 : f32 to vector<2000x128xf32>
    %max3A_44 = arith.maximumf %add3A_41, %max3A_43 : vector<2000x128xf32>
    %slice3A = vector.extract_strided_slice %max3A_44 {offsets = [0, 0], sizes = [2000, 64], strides = [1, 1]} : vector<2000x128xf32> to vector<2000x64xf32>
    %swap3A = arith.constant 0 : index
    %swap3A_45 = arith.constant 0 : index
    %swap3A_46 = arith.constant 0 : index
    %swap3A_47 = vector.load %arg7[%swap3A, %swap3A_45, %swap3A_46] : memref<2x2000x64xf32, #tpu.memory_space<vmem>>, vector<1x2000x64xf32>
    %swap3A_48 = vector.shape_cast %swap3A_47 : vector<1x2000x64xf32> to vector<2000x64xf32>
    %swap3A_49 = vector.shape_cast %slice3A : vector<2000x64xf32> to vector<1x2000x64xf32>
    tpu.vector_store %arg7[%swap3A, %swap3A_45, %swap3A_46], %swap3A_49 {strides = array<i32>} : memref<2x2000x64xf32, #tpu.memory_space<vmem>>, vector<1x2000x64xf32>,
    %slice3A_50 = vector.extract_strided_slice %max3A_44 {offsets = [0, 64], sizes = [2000, 64], strides = [1, 1]} : vector<2000x128xf32> to vector<2000x64xf32>
    %swap3A_51 = arith.constant 1 : index
    %swap3A_52 = arith.constant 0 : index
    %swap3A_53 = arith.constant 0 : index
    %swap3A_54 = vector.load %arg7[%swap3A_51, %swap3A_52, %swap3A_53] : memref<2x2000x64xf32, #tpu.memory_space<vmem>>, vector<1x2000x64xf32>
    %swap3A_55 = vector.shape_cast %swap3A_54 : vector<1x2000x64xf32> to vector<2000x64xf32>
    %swap3A_56 = vector.shape_cast %slice3A_50 : vector<2000x64xf32> to vector<1x2000x64xf32>
    tpu.vector_store %arg7[%swap3A_51, %swap3A_52, %swap3A_53], %swap3A_56 {strides = array<i32>} : memref<2x2000x64xf32, #tpu.memory_space<vmem>>, vector<1x2000x64xf32>,
    return
  }
  func.func @transform_0(%arg0: i32) -> (i32, i32, i32) {
    %c0_i32 = arith.constant 0 : i32
    %c0_i32_0 = arith.constant 0 : i32
    %c0_i32_1 = arith.constant 0 : i32
    return %c0_i32, %arg0, %c0_i32_0 : i32, i32, i32
  }
  func.func @transform_1(%arg0: i32) -> (i32, i32) {
    %c0_i32 = arith.constant 0 : i32
    %c0_i32_0 = arith.constant 0 : i32
    return %arg0, %c0_i32 : i32, i32
  }
  func.func @transform_2(%arg0: i32) -> (i32, i32) {
    %c0_i32 = arith.constant 0 : i32
    %c0_i32_0 = arith.constant 0 : i32
    return %arg0, %c0_i32 : i32, i32
  }
  func.func @transform_3(%arg0: i32) -> (i32, i32) {
    %c0_i32 = arith.constant 0 : i32
    %c0_i32_0 = arith.constant 0 : i32
    %c0_i32_1 = arith.constant 0 : i32
    return %c0_i32, %c0_i32_0 : i32, i32
  }
  func.func @transform_4(%arg0: i32) -> (i32, i32) {
    %c0_i32 = arith.constant 0 : i32
    %c0_i32_0 = arith.constant 0 : i32
    %c0_i32_1 = arith.constant 0 : i32
    return %c0_i32, %c0_i32_0 : i32, i32
  }
  func.func @transform_5(%arg0: i32) -> (i32, i32) {
    %c0_i32 = arith.constant 0 : i32
    %c0_i32_0 = arith.constant 0 : i32
    %c0_i32_1 = arith.constant 0 : i32
    return %c0_i32, %c0_i32_0 : i32, i32
  }
  func.func @transform_6(%arg0: i32) -> (i32, i32, i32) {
    %c0_i32 = arith.constant 0 : i32
    %c0_i32_0 = arith.constant 0 : i32
    %c0_i32_1 = arith.constant 0 : i32
    return %c0_i32, %arg0, %c0_i32_0 : i32, i32, i32
  }
}

module attributes {stable_mosaic.version = 14 : i64} {
  func.func @_final_body(%arg0: i32, %arg1: memref<2x2000x64xf32, #tpu.memory_space<vmem>>, %arg2: memref<2000x8xf32, #tpu.memory_space<vmem>>, %arg3: memref<2x2000x64xf32, #tpu.memory_space<vmem>>, %arg4: memref<128x128xf32, #tpu.memory_space<vmem>>, %arg5: memref<128x128xf32, #tpu.memory_space<vmem>>, %arg6: memref<1x128xf32, #tpu.memory_space<vmem>>, %arg7: memref<1x1x2000xf32, #tpu.memory_space<vmem>>, %arg8: memref<1x128xf32, #tpu.memory_space<vmem>>, %arg9: memref<1x128xf32, #tpu.memory_space<vmem>>, %arg10: memref<128x64xf32, #tpu.memory_space<vmem>>, %arg11: memref<1x64xf32, #tpu.memory_space<vmem>>, %arg12: memref<64x64xf32, #tpu.memory_space<vmem>>, %arg13: memref<64x128xf32, #tpu.memory_space<vmem>>) attributes {dimension_semantics = [#tpu.dimension_semantics<arbitrary>], iteration_bounds = array<i64: 5>, scalar_prefetch = 0 : i64, scratch_operands = 1 : i64, tpu.core_type = #tpu.core_type<tc>, window_params = [{transform_indices = @transform_0, window_bounds = array<i64: 2, 2000, 64>}, {transform_indices = @transform_1, window_bounds = array<i64: 2000, 8>}, {transform_indices = @transform_2, window_bounds = array<i64: 2, 2000, 64>}, {pipeline_mode = #tpu.pipeline_mode<synchronous>, transform_indices = @transform_3, window_bounds = array<i64: 128, 128>}, {pipeline_mode = #tpu.pipeline_mode<synchronous>, transform_indices = @transform_4, window_bounds = array<i64: 128, 128>}, {pipeline_mode = #tpu.pipeline_mode<synchronous>, transform_indices = @transform_5, window_bounds = array<i64: 1, 128>}, {transform_indices = @transform_6, window_bounds = array<i64: 1, 1, 2000>}, {pipeline_mode = #tpu.pipeline_mode<synchronous>, transform_indices = @transform_7, window_bounds = array<i64: 1, 128>}, {pipeline_mode = #tpu.pipeline_mode<synchronous>, transform_indices = @transform_8, window_bounds = array<i64: 1, 128>}, {pipeline_mode = #tpu.pipeline_mode<synchronous>, transform_indices = @transform_9, window_bounds = array<i64: 128, 64>}, {pipeline_mode = #tpu.pipeline_mode<synchronous>, transform_indices = @transform_10, window_bounds = array<i64: 1, 64>}, {pipeline_mode = #tpu.pipeline_mode<synchronous>, transform_indices = @transform_11, window_bounds = array<i64: 64, 64>}]} {
    %get3A = arith.constant 0 : index
    %get3A_0 = arith.constant 0 : index
    %get3A_1 = vector.load %arg2[%get3A, %get3A_0] : memref<2000x8xf32, #tpu.memory_space<vmem>>, vector<2000x1xf32>
    %max3A = arith.constant 1.000000e+00 : f32
    %max3A_2 = vector.broadcast %max3A : f32 to vector<2000x1xf32>
    %max3A_3 = arith.maximumf %get3A_1, %max3A_2 : vector<2000x1xf32>
    %div3A = arith.constant 1.000000e+00 : f32
    %div3A_4 = vector.broadcast %div3A : f32 to vector<2000x1xf32>
    %div3A_5 = arith.divf %div3A_4, %max3A_3 : vector<2000x1xf32>
    %get3A_6 = arith.constant 0 : index
    %get3A_7 = arith.constant 0 : index
    %get3A_8 = arith.constant 0 : index
    %get3A_9 = vector.load %arg1[%get3A_6, %get3A_7, %get3A_8] : memref<2x2000x64xf32, #tpu.memory_space<vmem>>, vector<1x2000x64xf32>
    %get3A_10 = vector.shape_cast %get3A_9 : vector<1x2000x64xf32> to vector<2000x64xf32>
    %mul3A = vector.broadcast %div3A_5 : vector<2000x1xf32> to vector<2000x64xf32>
    %mul3A_11 = arith.mulf %get3A_10, %mul3A : vector<2000x64xf32>
    %get3A_12 = arith.constant 0 : index
    %get3A_13 = arith.constant 0 : index
    %get3A_14 = vector.load %arg4[%get3A_12, %get3A_13] : memref<128x128xf32, #tpu.memory_space<vmem>>, vector<64x128xf32>
    %dot_general3A = arith.constant dense<0.000000e+00> : vector<2000x128xf32>
    %dot_general3A_15 = tpu.matmul %mul3A_11, %get3A_14, %dot_general3A {dimension_numbers = #tpu.dot_dimension_numbers<[1], [0], [0], [1], [0, 0, 1, 1], [], []>, precision = #tpu.contract_precision<fp32>, transpose_lhs_hint = false} : vector<2000x64xf32>, vector<64x128xf32>, vector<2000x128xf32> -> vector<2000x128xf32>
    %get3A_16 = arith.constant 1 : index
    %get3A_17 = arith.constant 0 : index
    %get3A_18 = arith.constant 0 : index
    %get3A_19 = vector.load %arg1[%get3A_16, %get3A_17, %get3A_18] : memref<2x2000x64xf32, #tpu.memory_space<vmem>>, vector<1x2000x64xf32>
    %get3A_20 = vector.shape_cast %get3A_19 : vector<1x2000x64xf32> to vector<2000x64xf32>
    %mul3A_21 = vector.broadcast %div3A_5 : vector<2000x1xf32> to vector<2000x64xf32>
    %mul3A_22 = arith.mulf %get3A_20, %mul3A_21 : vector<2000x64xf32>
    %get3A_23 = arith.constant 64 : index
    %get3A_24 = arith.constant 0 : index
    %get3A_25 = vector.load %arg4[%get3A_23, %get3A_24] : memref<128x128xf32, #tpu.memory_space<vmem>>, vector<64x128xf32>
    %dot_general3A_26 = arith.constant dense<0.000000e+00> : vector<2000x128xf32>
    %dot_general3A_27 = tpu.matmul %mul3A_22, %get3A_25, %dot_general3A_26 {dimension_numbers = #tpu.dot_dimension_numbers<[1], [0], [0], [1], [0, 0, 1, 1], [], []>, precision = #tpu.contract_precision<fp32>, transpose_lhs_hint = false} : vector<2000x64xf32>, vector<64x128xf32>, vector<2000x128xf32> -> vector<2000x128xf32>
    %add3A = arith.addf %dot_general3A_15, %dot_general3A_27 : vector<2000x128xf32>
    %get3A_28 = arith.constant 0 : index
    %get3A_29 = arith.constant 0 : index
    %get3A_30 = arith.constant 0 : index
    %get3A_31 = vector.load %arg3[%get3A_28, %get3A_29, %get3A_30] : memref<2x2000x64xf32, #tpu.memory_space<vmem>>, vector<1x2000x64xf32>
    %get3A_32 = vector.shape_cast %get3A_31 : vector<1x2000x64xf32> to vector<2000x64xf32>
    %get3A_33 = arith.constant 0 : index
    %get3A_34 = arith.constant 0 : index
    %get3A_35 = vector.load %arg5[%get3A_33, %get3A_34] : memref<128x128xf32, #tpu.memory_space<vmem>>, vector<64x128xf32>
    %dot_general3A_36 = arith.constant dense<0.000000e+00> : vector<2000x128xf32>
    %dot_general3A_37 = tpu.matmul %get3A_32, %get3A_35, %dot_general3A_36 {dimension_numbers = #tpu.dot_dimension_numbers<[1], [0], [0], [1], [0, 0, 1, 1], [], []>, precision = #tpu.contract_precision<fp32>, transpose_lhs_hint = false} : vector<2000x64xf32>, vector<64x128xf32>, vector<2000x128xf32> -> vector<2000x128xf32>
    %add3A_38 = arith.addf %add3A, %dot_general3A_37 : vector<2000x128xf32>
    %get3A_39 = arith.constant 1 : index
    %get3A_40 = arith.constant 0 : index
    %get3A_41 = arith.constant 0 : index
    %get3A_42 = vector.load %arg3[%get3A_39, %get3A_40, %get3A_41] : memref<2x2000x64xf32, #tpu.memory_space<vmem>>, vector<1x2000x64xf32>
    %get3A_43 = vector.shape_cast %get3A_42 : vector<1x2000x64xf32> to vector<2000x64xf32>
    %get3A_44 = arith.constant 64 : index
    %get3A_45 = arith.constant 0 : index
    %get3A_46 = vector.load %arg5[%get3A_44, %get3A_45] : memref<128x128xf32, #tpu.memory_space<vmem>>, vector<64x128xf32>
    %dot_general3A_47 = arith.constant dense<0.000000e+00> : vector<2000x128xf32>
    %dot_general3A_48 = tpu.matmul %get3A_43, %get3A_46, %dot_general3A_47 {dimension_numbers = #tpu.dot_dimension_numbers<[1], [0], [0], [1], [0, 0, 1, 1], [], []>, precision = #tpu.contract_precision<fp32>, transpose_lhs_hint = false} : vector<2000x64xf32>, vector<64x128xf32>, vector<2000x128xf32> -> vector<2000x128xf32>
    %add3A_49 = arith.addf %add3A_38, %dot_general3A_48 : vector<2000x128xf32>
    %get3A_50 = arith.constant 0 : index
    %get3A_51 = arith.constant 0 : index
    %get3A_52 = vector.load %arg6[%get3A_50, %get3A_51] : memref<1x128xf32, #tpu.memory_space<vmem>>, vector<1x128xf32>
    %add3A_53 = vector.broadcast %get3A_52 : vector<1x128xf32> to vector<2000x128xf32>
    %add3A_54 = arith.addf %add3A_49, %add3A_53 : vector<2000x128xf32>
    %max3A_55 = arith.constant 0.000000e+00 : f32
    %max3A_56 = vector.broadcast %max3A_55 : f32 to vector<2000x128xf32>
    %max3A_57 = arith.maximumf %add3A_54, %max3A_56 : vector<2000x128xf32>
    %iota3A = tpu.iota {dimensions = array<i32: 0>} : vector<64x2000xi32>
    %convert_element_type3A = arith.sitofp %iota3A : vector<64x2000xi32> to vector<64x2000xf32>
    %get3A_58 = arith.constant 0 : index
    %get3A_59 = arith.constant 0 : index
    %get3A_60 = arith.constant 0 : index
    %get3A_61 = vector.load %arg7[%get3A_58, %get3A_59, %get3A_60] : memref<1x1x2000xf32, #tpu.memory_space<vmem>>, vector<1x1x2000xf32>
    %reshape3A = vector.shape_cast %get3A_61 : vector<1x1x2000xf32> to vector<1x2000xf32>
    %eq3A = vector.broadcast %reshape3A : vector<1x2000xf32> to vector<64x2000xf32>
    %eq3A_62 = arith.cmpf oeq, %eq3A, %convert_element_type3A : vector<64x2000xf32>
    %convert_element_type3A_63 = arith.extui %eq3A_62 : vector<64x2000xi1> to vector<64x2000xi32>
    %convert_element_type3A_64 = arith.sitofp %convert_element_type3A_63 : vector<64x2000xi32> to vector<64x2000xf32>
    %dot_general3A_65 = arith.constant dense<0.000000e+00> : vector<64x128xf32>
    %dot_general3A_66 = tpu.matmul %convert_element_type3A_64, %max3A_57, %dot_general3A_65 {dimension_numbers = #tpu.dot_dimension_numbers<[1], [0], [0], [1], [0, 0, 1, 1], [], []>, precision = #tpu.contract_precision<fp32>, transpose_lhs_hint = false} : vector<64x2000xf32>, vector<2000x128xf32>, vector<64x128xf32> -> vector<64x128xf32>
    %eq3A_67 = arith.constant 0 : i32
    %eq3A_68 = arith.cmpi eq, %arg0, %eq3A_67 : i32
    %convert_element_type3A_69 = arith.extui %eq3A_68 : i1 to i32
    %cond3A = arith.constant 0 : i32
    %cond3A_70 = arith.cmpi ne, %convert_element_type3A_69, %cond3A : i32
    scf.if %cond3A_70 {
      %swap3A = arith.constant 0 : index
      %swap3A_80 = arith.constant 0 : index
      %swap3A_81 = vector.load %arg13[%swap3A, %swap3A_80] : memref<64x128xf32, #tpu.memory_space<vmem>>, vector<64x128xf32>
      tpu.vector_store %arg13[%swap3A, %swap3A_80], %dot_general3A_66 {strides = array<i32>} : memref<64x128xf32, #tpu.memory_space<vmem>>, vector<64x128xf32>,
    } else {
    }
    %gt3A = arith.constant 0 : i32
    %gt3A_71 = arith.cmpi sgt, %arg0, %gt3A : i32
    %convert_element_type3A_72 = arith.extui %gt3A_71 : i1 to i32
    %cond3A_73 = arith.constant 0 : i32
    %cond3A_74 = arith.cmpi ne, %convert_element_type3A_72, %cond3A_73 : i32
    scf.if %cond3A_74 {
      %get3A_80 = arith.constant 0 : index
      %get3A_81 = arith.constant 0 : index
      %get3A_82 = vector.load %arg13[%get3A_80, %get3A_81] : memref<64x128xf32, #tpu.memory_space<vmem>>, vector<64x128xf32>
      %add3A_83 = arith.addf %get3A_82, %dot_general3A_66 : vector<64x128xf32>
      %swap3A = arith.constant 0 : index
      %swap3A_84 = arith.constant 0 : index
      %swap3A_85 = vector.load %arg13[%swap3A, %swap3A_84] : memref<64x128xf32, #tpu.memory_space<vmem>>, vector<64x128xf32>
      tpu.vector_store %arg13[%swap3A, %swap3A_84], %add3A_83 {strides = array<i32>} : memref<64x128xf32, #tpu.memory_space<vmem>>, vector<64x128xf32>,
    } else {
    }
    %eq3A_75 = arith.constant 4 : i32
    %eq3A_76 = arith.cmpi eq, %arg0, %eq3A_75 : i32
    %convert_element_type3A_77 = arith.extui %eq3A_76 : i1 to i32
    %cond3A_78 = arith.constant 0 : i32
    %cond3A_79 = arith.cmpi ne, %convert_element_type3A_77, %cond3A_78 : i32
    scf.if %cond3A_79 {
      %get3A_80 = arith.constant 0 : index
      %get3A_81 = arith.constant 0 : index
      %get3A_82 = vector.load %arg13[%get3A_80, %get3A_81] : memref<64x128xf32, #tpu.memory_space<vmem>>, vector<64x128xf32>
      %mul3A_83 = arith.constant 0.999994993 : f32
      %mul3A_84 = vector.broadcast %mul3A_83 : f32 to vector<64x128xf32>
      %mul3A_85 = arith.mulf %get3A_82, %mul3A_84 : vector<64x128xf32>
      %get3A_86 = arith.constant 0 : index
      %get3A_87 = arith.constant 0 : index
      %get3A_88 = vector.load %arg8[%get3A_86, %get3A_87] : memref<1x128xf32, #tpu.memory_space<vmem>>, vector<1x128xf32>
      %mul3A_89 = vector.broadcast %get3A_88 : vector<1x128xf32> to vector<64x128xf32>
      %mul3A_90 = arith.mulf %mul3A_85, %mul3A_89 : vector<64x128xf32>
      %get3A_91 = arith.constant 0 : index
      %get3A_92 = arith.constant 0 : index
      %get3A_93 = vector.load %arg9[%get3A_91, %get3A_92] : memref<1x128xf32, #tpu.memory_space<vmem>>, vector<1x128xf32>
      %add3A_94 = vector.broadcast %get3A_93 : vector<1x128xf32> to vector<64x128xf32>
      %add3A_95 = arith.addf %mul3A_90, %add3A_94 : vector<64x128xf32>
      %get3A_96 = arith.constant 0 : index
      %get3A_97 = arith.constant 0 : index
      %get3A_98 = vector.load %arg10[%get3A_96, %get3A_97] : memref<128x64xf32, #tpu.memory_space<vmem>>, vector<128x64xf32>
      %dot_general3A_99 = arith.constant dense<0.000000e+00> : vector<64x64xf32>
      %dot_general3A_100 = tpu.matmul %add3A_95, %get3A_98, %dot_general3A_99 {dimension_numbers = #tpu.dot_dimension_numbers<[1], [0], [0], [1], [0, 0, 1, 1], [], []>, precision = #tpu.contract_precision<fp32>, transpose_lhs_hint = false} : vector<64x128xf32>, vector<128x64xf32>, vector<64x64xf32> -> vector<64x64xf32>
      %get3A_101 = arith.constant 0 : index
      %get3A_102 = arith.constant 0 : index
      %get3A_103 = vector.load %arg11[%get3A_101, %get3A_102] : memref<1x64xf32, #tpu.memory_space<vmem>>, vector<1x64xf32>
      %add3A_104 = vector.broadcast %get3A_103 : vector<1x64xf32> to vector<64x64xf32>
      %add3A_105 = arith.addf %dot_general3A_100, %add3A_104 : vector<64x64xf32>
      %swap3A = arith.constant 0 : index
      %swap3A_106 = arith.constant 0 : index
      %swap3A_107 = vector.load %arg12[%swap3A, %swap3A_106] : memref<64x64xf32, #tpu.memory_space<vmem>>, vector<64x64xf32>
      tpu.vector_store %arg12[%swap3A, %swap3A_106], %add3A_105 {strides = array<i32>} : memref<64x64xf32, #tpu.memory_space<vmem>>, vector<64x64xf32>,
    } else {
    }
    return
  }
  func.func @transform_0(%arg0: i32) -> (i32, i32, i32) {
    %c0_i32 = arith.constant 0 : i32
    %c0_i32_0 = arith.constant 0 : i32
    %c0_i32_1 = arith.constant 0 : i32
    return %c0_i32, %arg0, %c0_i32_0 : i32, i32, i32
  }
  func.func @transform_1(%arg0: i32) -> (i32, i32) {
    %c0_i32 = arith.constant 0 : i32
    %c0_i32_0 = arith.constant 0 : i32
    return %arg0, %c0_i32 : i32, i32
  }
  func.func @transform_2(%arg0: i32) -> (i32, i32, i32) {
    %c0_i32 = arith.constant 0 : i32
    %c0_i32_0 = arith.constant 0 : i32
    %c0_i32_1 = arith.constant 0 : i32
    return %c0_i32, %arg0, %c0_i32_0 : i32, i32, i32
  }
  func.func @transform_3(%arg0: i32) -> (i32, i32) {
    %c0_i32 = arith.constant 0 : i32
    %c0_i32_0 = arith.constant 0 : i32
    %c0_i32_1 = arith.constant 0 : i32
    return %c0_i32, %c0_i32_0 : i32, i32
  }
  func.func @transform_4(%arg0: i32) -> (i32, i32) {
    %c0_i32 = arith.constant 0 : i32
    %c0_i32_0 = arith.constant 0 : i32
    %c0_i32_1 = arith.constant 0 : i32
    return %c0_i32, %c0_i32_0 : i32, i32
  }
  func.func @transform_5(%arg0: i32) -> (i32, i32) {
    %c0_i32 = arith.constant 0 : i32
    %c0_i32_0 = arith.constant 0 : i32
    %c0_i32_1 = arith.constant 0 : i32
    return %c0_i32, %c0_i32_0 : i32, i32
  }
  func.func @transform_6(%arg0: i32) -> (i32, i32, i32) {
    %c0_i32 = arith.constant 0 : i32
    %c0_i32_0 = arith.constant 0 : i32
    %c0_i32_1 = arith.constant 0 : i32
    return %arg0, %c0_i32, %c0_i32_0 : i32, i32, i32
  }
  func.func @transform_7(%arg0: i32) -> (i32, i32) {
    %c0_i32 = arith.constant 0 : i32
    %c0_i32_0 = arith.constant 0 : i32
    %c0_i32_1 = arith.constant 0 : i32
    return %c0_i32, %c0_i32_0 : i32, i32
  }
  func.func @transform_8(%arg0: i32) -> (i32, i32) {
    %c0_i32 = arith.constant 0 : i32
    %c0_i32_0 = arith.constant 0 : i32
    %c0_i32_1 = arith.constant 0 : i32
    return %c0_i32, %c0_i32_0 : i32, i32
  }
  func.func @transform_9(%arg0: i32) -> (i32, i32) {
    %c0_i32 = arith.constant 0 : i32
    %c0_i32_0 = arith.constant 0 : i32
    %c0_i32_1 = arith.constant 0 : i32
    return %c0_i32, %c0_i32_0 : i32, i32
  }
  func.func @transform_10(%arg0: i32) -> (i32, i32) {
    %c0_i32 = arith.constant 0 : i32
    %c0_i32_0 = arith.constant 0 : i32
    %c0_i32_1 = arith.constant 0 : i32
    return %c0_i32, %c0_i32_0 : i32, i32
  }
  func.func @transform_11(%arg0: i32) -> (i32, i32) {
    %c0_i32 = arith.constant 0 : i32
    %c0_i32_0 = arith.constant 0 : i32
    %c0_i32_1 = arith.constant 0 : i32
    return %c0_i32, %c0_i32_0 : i32, i32
  }
}

</mosaic_0001>

<sc_bundles>
// kernel: kernel.6.cloned.1.call-start
scs
__scs_entry_jumppad:
0x0: {  	(pc) =	sbr.rel $0x88, $3  }
0x1: {  	(tag) =	ssettag $0x0;
	lr =	simm.s32 $0x1  }
0x2: {  	[smem:$0x3F94] =	sst lr;
	_ =	strace $0xD0000000  }
0x3: {  	_ = 	snop  }
0x4: {  	_ = 	snop  }
0x5: {  	_ = 	snop  }
0x6: {  	_ = 	snop  }
0x7: {  	_ = 	snop  }
__scs_overlays_trampoline_lowered:
0x8: {  	[smem:$0x3FA3] =	sst s0  }
0x9: {  	[smem:$0x3FA4] =	sst s1  }
0xa: {  	[smem:$0x3FA5] =	sst s2  }
0xb: {  	[smem:$0x3FA6] =	sst s3  }
0xc: {  	[smem:$0x3FA7] =	sst s4  }
0xd: {  	[smem:$0x3FA8] =	sst s5  }
0xe: {  	[smem:$0x3FA9] =	sst s6  }
0xf: {  	[smem:$0x3FAA] =	sst s7  }
0x10: {  	[smem:$0x3FAB] =	sst s8  }
0x11: {  	[smem:$0x3FAC] =	sst s9;
	s0 =	simm.s32 @!p0 $0x0  }
0x12: {  	s1 =	sld [smem:$0x3F92];
	s0 =	simm.s32 @p0 $0x1  }
0x13: {  	[smem:$0x3FAD] =	sst s0;
	s0 =	simm.s32 @!p1 $0x0  }
0x14: {  	s2 =	sld [smem:$0x3F91];
	s0 =	simm.s32 @p1 $0x1  }
0x15: {  	[smem:$0x3FAE] =	sst s0;
	s0 =	simm.s32 @!p2 $0x0  }
0x16: {  	s3 =	sld [smem:$0x3FDB];
	s0 =	simm.s32 @p2 $0x1  }
0x17: {  	s4 =	simm.s32 $0x1BF5;
	[smem:$0x3FB0] =	sst s0  }
0x18: {  	s0 =	sld [smem:$0x3F93];
	_ =	swait.ge [sflag:s4], $0x0  }
0x19: {  	s7 =	sld [smem:$0x3F94]  }
0x1a: {  	s8 =	sadd.s32 $0xFFFFE003, lr  }
0x1b: {  	s9 =	sadd.s32 $0xFFFFFEF7, lr;
	s5 =	simm.s32 $0xFFFFFFFF;
	p2 =	slt.u32 s8, $0xFFFFF086  }
0x1c: {  	p1 =	slt.u32 s9, $0xF7A;
	s5 =	simm.s32 @!p2 $0x0  }
0x1d: {  	s5 =	simm.s32 @p1 $0x1;
	p0 =	seq.s32 s7, s2  }
0x1e: {  	s7 =	smul.u32 @!p0 $0xF7A, s2;
	p2 =	seq.s32 @!p0 s5, $0x0  }
0x1f: {  	s9 =	smul.u32 $0xF7A, s1;
	s8 =	simm.s32 @!p0 $0x1BF5;
	p2 =	por !p2, p0  }
0x20: {  	[sflag:s8] =	ssyncset.s32 @!p0 $0xFFFFF086;
	s6 =	sadd.s32 @!p0 s3, s7;
	s7 =	simm.s32 @!p0 $0x108  }
0x21: {  	s3 =	sadd.s32 s3, s9;
	s6 =	sadd.s32 @!p0 $0x88, s6;
	s7 =	simm.s32 @p2 $0x1082  }
0x22: {  	[simem:s7], [sflag:s8] =	dma.local @!p0 [hbm:s6], $0xF7A  }
0x23: {  	s9 =	sor.u32 $0xD0000000, s2;
	s6 =	simm.s32 $0x108;
	_ =	swait.ge @!p0 [sflag:s8], $0x0  }
0x24: {  	s3 =	sadd.s32 $0x88, s3;
	s6 =	simm.s32 @!p1 $0x1082;
	[sflag:s4] =	ssyncset.s32 $0xFFFFF086  }
0x25: {  	[simem:s6], [sflag:s4] =	dma.local [hbm:s3], $0xF7A  }
0x26: {  	[smem:$0x3F94] =	sst s1;
	(tag) =	ssettag s2;
	_ =	strace s9  }
0x27: {  	s1 =	sld [smem:$0x3FA4]  }
0x28: {  	s2 =	sld [smem:$0x3FA5]  }
0x29: {  	s4 =	sld [smem:$0x3FA7]  }
0x2a: {  	p0 =	seq.s32 s5, $0x0;
	s5 =	sld [smem:$0x3FA8]  }
0x2b: {  	s6 =	sld [smem:$0x3FA9]  }
0x2c: {  	s7 =	sld [smem:$0x3FAA]  }
0x2d: {  	s3 =	simm.s32 $0x108;
	s8 =	sld [smem:$0x3FAB]  }
0x2e: {  	s3 =	simm.s32 @!p0 $0x1082;
	s9 =	sld [smem:$0x3FAC]  }
0x2f: {  	lr =	sadd.s32 s0, s3;
	s0 =	sld [smem:$0x3FA3]  }
0x30: {  	s3 =	sld [smem:$0x3FA6]  }
0x31: {  	[smem:$0x3FAF] =	sst s10  }
0x32: {  	s10 =	sld [smem:$0x3FAD];
	_ =	sdelay $0x3  }
0x33: {  	p0 =	seq.s32 s10, $0x1;
	s10 =	sld [smem:$0x3FAF];
	_ =	sdelay $0x3  }
0x34: {  	[smem:$0x3FAF] =	sst s10  }
0x35: {  	s10 =	sld [smem:$0x3FAE];
	_ =	sdelay $0x3  }
0x36: {  	p1 =	seq.s32 s10, $0x1;
	s10 =	sld [smem:$0x3FAF];
	_ =	sdelay $0x3  }
0x37: {  	[smem:$0x3FAF] =	sst s10  }
0x38: {  	s10 =	sld [smem:$0x3FB0]  }
0x39: {  	_ = 	snop;
	(pc) =	sbr.ind lr, $3  }
0x3a: {  	_ = 	snop  }
0x3b: {  	_ = 	snop  }
0x3c: {  	p2 =	seq.s32 s10, $0x1;
	s10 =	sld [smem:$0x3FAF]  }
0x3d: {  	_ =	shalt  }
0x3e: {  	_ =	shalt  }
0x3f: {  	_ =	shalt  }
0x40: {  	_ =	shalt  }
0x41: {  	_ =	shalt  }
0x42: {  	_ =	shalt  }
0x43: {  	_ =	shalt  }
0x44: {  	_ =	shalt  }
0x45: {  	_ =	shalt  }
0x46: {  	_ =	shalt  }
0x47: {  	_ =	shalt  }
0x48: {  	_ =	shalt  }
0x49: {  	_ =	shalt  }
0x4a: {  	_ =	shalt  }
0x4b: {  	_ =	shalt  }
0x4c: {  	_ =	shalt  }
0x4d: {  	_ =	shalt  }
0x4e: {  	_ =	shalt  }
0x4f: {  	_ =	shalt  }
0x50: {  	_ =	shalt  }
0x51: {  	_ =	shalt  }
0x52: {  	_ =	shalt  }
0x53: {  	_ =	shalt  }
0x54: {  	_ =	shalt  }
0x55: {  	_ =	shalt  }
0x56: {  	_ =	shalt  }
0x57: {  	_ =	shalt  }
0x58: {  	_ =	shalt  }
0x59: {  	_ =	shalt  }
0x5a: {  	_ =	shalt  }
0x5b: {  	_ =	shalt  }
0x5c: {  	_ =	shalt  }
0x5d: {  	_ =	shalt  }
0x5e: {  	_ =	shalt  }
0x5f: {  	_ =	shalt  }
0x60: {  	_ =	shalt  }
0x61: {  	_ =	shalt  }
0x62: {  	_ =	shalt  }
0x63: {  	_ =	shalt  }
0x64: {  	_ =	shalt  }
0x65: {  	_ =	shalt  }
0x66: {  	_ =	shalt  }
0x67: {  	_ =	shalt  }
0x68: {  	_ =	shalt  }
0x69: {  	_ =	shalt  }
0x6a: {  	_ =	shalt  }
0x6b: {  	_ =	shalt  }
0x6c: {  	_ =	shalt  }
0x6d: {  	_ =	shalt  }
0x6e: {  	_ =	shalt  }
0x6f: {  	_ =	shalt  }
0x70: {  	_ =	shalt  }
0x71: {  	_ =	shalt  }
0x72: {  	_ =	shalt  }
0x73: {  	_ =	shalt  }
0x74: {  	_ =	shalt  }
0x75: {  	_ =	shalt  }
0x76: {  	_ =	shalt  }
0x77: {  	_ =	shalt  }
0x78: {  	_ =	shalt  }
0x79: {  	_ =	shalt  }
0x7a: {  	_ =	shalt  }
0x7b: {  	_ =	shalt  }
0x7c: {  	_ =	shalt  }
0x7d: {  	_ =	shalt  }
0x7e: {  	_ =	shalt  }
0x7f: {  	_ =	shalt  }
0x80: {  	_ =	shalt  }
0x81: {  	_ =	shalt  }
0x82: {  	_ =	shalt  }
0x83: {  	_ =	shalt  }
0x84: {  	_ =	shalt  }
0x85: {  	_ =	shalt  }
0x86: {  	_ =	shalt  }
0x87: {  	_ =	shalt  }
.Lfunc_end0:
.L_simem_size_0:
called_computation_lowered:
.L_overlay_start_0:
0x88: {  	s2 =	sld [smem:$0x3FD9]  }
0x89: {  	s3 =	sld [smem:$0x3FFE];
	_ =	sdelay $0x1  }
0x8a: {  	s1 =	srdreg.scid  }
0x8b: {  	s0 =	sand.u32 $0x1, s1  }
0x8c: {  	s17 =	sshll.u32 s0, $0xA;
	s2 =	sadd.s32 s3, s2  }
0x8d: {  	s2 =	sadd.s32 s2, s17  }
0x8e: {  	[smem:$0x3FBB] =	sst s2  }
0x8f: {  	_ = 	snop  }
0x90: {  	s2 =	sld [smem:$0x3FD0];
	(tm) =	ssettm $0x1  }
0x91: {  	s18 =	sld [smem:$0x3FFB];
	_ =	sdelay $0x3  }
0x92: {  	_ =	strace s18  }
0x93: {  	s3 =	sld [smem:$0x3FFC];
	_ =	sdelay $0x3  }
0x94: {  	_ =	strace s3  }
0x95: {  	s3 =	sld [smem:$0x3FFD];
	_ =	sdelay $0x3  }
0x96: {  	_ =	strace s3  }
0x97: {  	_ =	strace $0x8FFFFFFF  }
0x98: {  	s19 =	sld [smem:$0x3FDB];
	_ =	sdelay $0x1  }
0x99: {  	s4 =	simm.s32 $_scs_section_size  }
0x9a: {  	s5 =	simm.s32 $_size__tile_overlayer_lowered;
	s6 =	simm.s32 $_tile_overlayer_lowered  }
0x9b: {  	s22 =	simm.s32 $0x1BFF;
	s21 =	sshll.u32 s6, $0x1;
	s3 =	sadd.s32 s4, s19  }
0x9c: {  	s7 =	simm.s32 $0x0;
	s20 =	sshll.u32 s5, $0x1;
	s5 =	sadd.s32 s21, s3  }
0x9d: {  	[timem:s7], [sflag:s22] =	dma.local [hbm:s5], s20  }
0x9e: {  	_ =	swait.ge [sflag:s22], s20  }
0x9f: {  	s4 =	ssub.s32 $0x0, s20;
	[sflag:s22] =	ssyncset.done $0x0  }
0xa0: {  	[sflag:s22] =	ssyncadd.s32 s4;
	_ =	sdelay $0x1  }
0xa1: {  	s23 =	simm.s32 $0x1B8B  }
0xa2: {  	_ =	swait.ge [sflag:s23], $0x1  }
0xa3: {  	[sflag:s23] =	ssyncset.done $0x0  }
0xa4: {  	s25 =	simm.s32 $0x1B8E;
	s24 =	sld [smem:$0x3FFE];
	[sflag:s23] =	ssyncadd.s32 $0xFFFFFFFF  }
0xa5: {  	s26 =	simm.s32 $execute0_lowered;
	[smem:$0x3FD2] =	sst s25  }
0xa6: {  	s5 =	sshll.u32 s26, $0x1;
	_ =	strace $0x80000046;
	[dreg:$0x1] =	wrdreg $0xFFFFFFFF  }
0xa7: {  	s28 =	simm.s32 $_size_execute0_lowered;
	s3 =	sadd.s32 s3, s5;
	[dreg:$0x0] =	wrdreg $0x0  }
0xa8: {  	s5 =	sshll.u32 s28, $0x1;
	[dreg:$0x2] =	wrdreg s3  }
0xa9: {  	[dreg:$0x3] =	wrdreg s5  }
0xaa: {  	[dreg:$0x4] =	wrdreg $0xC0  }
0xab: {  	_ =	task [dreg:s7], $0x5FFFF  }
0xac: {  	[dreg:$0x1] =	wrdreg $0xFFFFFFFF  }
0xad: {  	[dreg:$0x0] =	wrdreg $0x60  }
0xae: {  	[dreg:$0x2] =	wrdreg s24  }
0xaf: {  	[dreg:$0x3] =	wrdreg s2  }
0xb0: {  	[dreg:$0x4] =	wrdreg $0xB0A00  }
0xb1: {  	[dreg:$0x5] =	wrdreg $0x162E00  }
0xb2: {  	[dreg:$0x6] =	wrdreg $0x9  }
0xb3: {  	_ =	task.clear_ibuf [dreg:s7], $0x7FFFF;
	_ =	strace $0x90000046  }
0xb4: {  	s29 =	simm.s32 $0x9;
	_ =	strace $0x80000048  }
0xb5: {  	_ =	swait.ge [sflag:s29], $0x1  }
0xb6: {  	[sflag:s29] =	ssyncadd.s32 $0xFFFFFFFF  }
0xb7: {  	_ =	strace $0x90000048  }
0xb8: {  	_ =	sfence  }
0xb9: {  	s30 =	sld [smem:$0x0];
	_ =	sdelay $0x2  }
0xba: {  	s31 =	sshll.u32 s1, $0xD;
	s1 =	sshrl.u32 s1, $0x2  }
0xbb: {  	s3 =	sand.u32 $0x4000, s31;
	s1 =	sadd.s32 s1, s30  }
0xbc: {  	s0 =	sor.u32 s3, s0;
	s1 =	sshll.u32 s1, $0x11  }
0xbd: {  	s0 =	sor.u32 s1, s0  }
0xbe: {  	s0 =	sadd.s32 $0x8F2B, s0  }
0xbf: {  	[sflag:s0] =	ssyncadd.remote.s32 $0x1  }
0xc0: {  	_ =	sfence.sel $0xFFFF  }
0xc1: {  	[dreg:$0x0] =	wrdreg $0xFFFFFFFF;
	(pc) =	sbr.abs _section_cstart, $3  }
0xc2: {  	[dreg:$0x1] =	wrdreg $0xFFFFFFFF  }
0xc3: {  	_ =	task.clear_ibuf [dreg:s7], $0x2FFFF;
	_ =	strace $0x9FFFFFFF  }
0xc4: {  	(tm) =	ssettm $0x7FFFFFFF  }
0xc5: {  	_ =	shalt  }
tec
execute0_lowered:
.L_overlay_start_1:
0x0: {  	(tag) =	ssettag $0x1  }
0x1: {  	s0 =	rddreg [dreg:$0x0]  }
0x2: {  	s3 =	rddreg [dreg:$0x2]  }
0x3: {  	s4 =	rddreg [dreg:$0x3];
	s5 =	simm.s32 $0x0;
	s7 =	stileid.u32  }
0x4: {  	s9 =	srdreg.scid;
	s29 =	simm.s32 $0x1;
	s1 =	smul.u32 $0x9C4, s7  }
0x5: {  	s30 =	simm.s32 $0x0;
	[smem:$0x7FF] =	sst s5;
	s20 =	smul.u32 $0x1380, s7  }
0x6: {  	s6 =	sadd.s32 $0x2A00, s0;
	s2 =	sadd.s32 $0x3EC00, s0;
	s10 =	smul.u32 $0x270, s7  }
0x7: {  	s8 =	sadd.s32 $0x3D800, s0;
	s16 =	sadd.s32 $0x41600, s0;
	s21 =	smul.u32 $0x27000, s7  }
0x8: {  	s23 =	sand.u32 $0x1, s9;
	s13 =	smul.u32 $0x4E00, s7;
	p1 =	sne.s32 s7, $0xF  }
0x9: {  	_ =	strace $0x80000047;
	[dreg:$0x5] =	wrdreg s2;
	s28 =	smul.u32 $0x2710, s23  }
0xa: {  	s12 =	ssub.s32 $0x2, s23;
	s25 =	smul.u32 $0x9C400, s23;
	p0 =	sne.s32 s23, $0x0  }
0xb: {  	p2 =	sne.s32 @!p1 s23, $0x0;
	s1 =	sadd.s32 s1, s0;
	s11 =	sshrl.u32 s20, $0x3  }
0xc: {  	s14 =	sshrl.u32 s12, $0x1;
	s9 =	sshrl.u32 s21, $0x2;
	s22 =	sshrl.u32 s13, $0x2  }
0xd: {  	s21 =	simm.s32 $0x14A0;
	p2 =	por p2, p1;
	s15 =	sadd.s32 s11, s0  }
0xe: {  	s18 =	ssub.s32 s12, s14;
	s9 =	sadd.s32 s9, s3;
	s24 =	sadd.s32 s10, s28  }
0xf: {  	s10 =	sadd.s32 s22, s4;
	s11 =	sadd.s32 $0x9C000, s3;
	s12 =	sadd.s32 $0x13800, s4  }
0x10: {  	s17 =	sshrl.u32 s25, $0x3;
	s14 =	sadd.s32 s20, s4;
	s19 =	sadd.s32 $0x29C00, s1  }
0x11: {  	s20 =	sadd.s32 $0x33A00, s1;
	s22 =	simm.s32 $0x2;
	s25 =	simm.s32 $0x3  }
0x12: {  	v0 =	vmov s28;
	s28 =	simm.s32 $0xA0;
	s26 =	sshll.u32 s24, $0x3;
	s15 =	sadd.s32 $0x3EE00, s15  }
0x13: {  	s31 =	sadd.s32 s16, s17;
	s17 =	sadd.s32 $0x41500, s0;
	s18 =	smax.u32 s18, $0x1  }
0x14: {  	s13 =	sadd.s32 s16, s26;
	s16 =	sadd.s32 $0x13800, s31;
	s26 =	simm.s32 $0x50  }
.LBB2_1:
0x15: {  	[tilespmem:s21], [sflag:$0x2] =	stream.linear.gather [hbm4b:s8+s5], $0x9C00, $0x38;
	[tilespmem:$0x17668] =	vst v63  }
0x16: {  	_ =	swait.ge [sflag:s22], $0x9C00  }
0x17: {  	[sflag:s22] =	ssyncset.done $0x0  }
0x18: {  	[sflag:s22] =	ssyncadd.s32 $0xFFFF6400  }
0x19: {  	[spmem:s9] =	stream.linear.scatter [tilespmem:s21], [sflag:$0x2], $0x9C00, $0x38;
	[tilespmem:$0x17668] =	vst v63  }
0x1a: {  	_ =	swait.ge [sflag:s22], $0x9C00  }
0x1b: {  	[sflag:s22] =	ssyncset.done $0x0  }
0x1c: {  	s1 =	simm.s32 $0x14CE0;
	s0 =	rddreg [dreg:$0x5];
	[sflag:s22] =	ssyncadd.s32 $0xFFFF6400  }
0x1d: {  	[tilespmem:s1], [sflag:$0x2] =	stream.linear.gather [hbm4b:s0+s5], $0x280, $0x38;
	[tilespmem:$0x17668] =	vst v63  }
0x1e: {  	_ =	swait.ge [sflag:s22], $0x280  }
0x1f: {  	[sflag:s22] =	ssyncset.done $0x0  }
0x20: {  	[sflag:s22] =	ssyncadd.s32 $0xFFFFFD80  }
0x21: {  	s7 =	simm.s32 $0x14F60;
	s2 =	rddreg [dreg:$0x1]  }
0x22: {  	[tilespmem:s7], [sflag:$0x2] =	stream.linear.gather [hbm4b:s2+s5], $0x1380, $0x38;
	[tilespmem:$0x17668] =	vst v63  }
0x23: {  	_ =	swait.ge [sflag:s22], $0x1380  }
0x24: {  	[sflag:s22] =	ssyncset.done $0x0  }
0x25: {  	s31 =	simm.s32 @!p0 $0x2;
	s0 =	simm.s32 @!p0 $0x14F60;
	[sflag:s22] =	ssyncadd.s32 $0xFFFFEC80  }
0x26: {  	[spmem:s10] =	stream.linear.scatter @!p0 [tilespmem:s0], [sflag:$0x2], $0x1380, $0x38;
	[tilespmem:$0x17668] =	vst v63  }
0x27: {  	_ =	swait.ge @!p0 [sflag:s31], $0x1380  }
0x28: {  	[sflag:s31] =	ssyncset.done @!p0 $0x0  }
0x29: {  	s0 =	simm.s32 @!p1 $0x14A0;
	[sflag:s31] =	ssyncadd.s32 @!p0 $0xFFFFEC80  }
0x2a: {  	[spmem:s11] =	stream.linear.scatter @!p1 [tilespmem:s0], [sflag:$0x2], $0x400, $0x38;
	[tilespmem:$0x17668] =	vst v63  }
0x2b: {  	s0 =	simm.s32 @!p1 $0x2  }
0x2c: {  	_ =	swait.ge @!p1 [sflag:s0], $0x400  }
0x2d: {  	[sflag:s0] =	ssyncset.done @!p1 $0x0  }
0x2e: {  	[sflag:s0] =	ssyncadd.s32 @!p1 $0xFFFFFC00;
	s0 =	simm.s32 @!p2 $0x14F60  }
0x2f: {  	[spmem:s12] =	stream.linear.scatter @!p2 [tilespmem:s0], [sflag:$0x2], $0x80, $0x38;
	[tilespmem:$0x17668] =	vst v63  }
0x30: {  	s0 =	simm.s32 @!p2 $0x2  }
0x31: {  	_ =	swait.ge @!p2 [sflag:s0], $0x80  }
0x32: {  	[sflag:s0] =	ssyncset.done @!p2 $0x0  }
0x33: {  	[sflag:s0] =	ssyncadd.s32 @!p2 $0xFFFFFF80  }
0x34: {  	s23 =	sadd.s32 $0x0, s20;
	[bflag:$0x0] =	sbarrier.arrive $0xFFFF  }
0x35: {  	[tilespmem:s5], [sflag:$0x3] =	stream.linear.gather [hbm4b:s23+s5], $0x50, $0x38;
	[tilespmem:$0x17668] =	vst v63  }
0x36: {  	_ =	swait.ge [sflag:s25], $0x50  }
0x37: {  	[sflag:s25] =	ssyncset.done $0x0  }
0x38: {  	s24 =	sadd.s32 $0x0, s19;
	[sflag:s25] =	ssyncadd.s32 $0xFFFFFFB0  }
0x39: {  	[tilespmem:s26], [sflag:$0x3] =	stream.linear.gather [hbm4b:s24+s5], $0x50, $0x38;
	[tilespmem:$0x17668] =	vst v63  }
0x3a: {  	_ =	swait.ge [sflag:s25], $0x50  }
0x3b: {  	[sflag:s25] =	ssyncset.done $0x0  }
0x3c: {  	[sflag:s25] =	ssyncadd.s32 $0xFFFFFFB0  }
0x3d: {  	v1 =	vld [tilespmem:$0x40]  }
0x3e: {  	v2 =	vld [tilespmem:$0x0]  }
0x3f: {  	v3 =	vld [tilespmem:$0x30]  }
0x40: {  	v4 =	vld [tilespmem:$0x20]  }
0x41: {  	v5 =	vld [tilespmem:$0x10]  }
0x42: {  	v1 =	vadd.s32 v0, v1  }
0x43: {  	v2 =	vadd.s32 v0, v2;
	[tilespmem:$0x40] =	vst v1  }
0x44: {  	[tilespmem:$0x0] =	vst v2;
	v1 =	vadd.s32 v0, v3  }
0x45: {  	v2 =	vadd.s32 v0, v4;
	[tilespmem:$0x30] =	vst v1  }
0x46: {  	v1 =	vadd.s32 v0, v5;
	[tilespmem:$0x20] =	vst v2  }
0x47: {  	[tilespmem:$0x10] =	vst v1  }
0x48: {  	[tilespmem:s28], [sflag:$0x1] =	stream.indirect.gather [hbm4b:s6+s26], $0x40, s5, s26, $0xb8;
	[tilespmem:$0x17668] =	vst v63  }
0x49: {  	_ =	swait.ge [sflag:s29], $0x1400  }
0x4a: {  	[sflag:s29] =	ssyncset.done $0x0  }
0x4b: {  	[sflag:s29] =	ssyncadd.s32 $0xFFFFEC00  }
0x4c: {  	[spmem:s3] =	stream.indirect.scatter.add.f32 [tilespmem:s28], [sflag:$0x3], $0x40, s26, s26, $0xb8;
	[tilespmem:$0x17668] =	vst v63  }
0x4d: {  	s1 =	simm.s32 $0xA;
	s2 =	simm.s32 @!p0 $0x14CE0;
	_ =	swait.ge [sflag:s25], $0x1400  }
0x4e: {  	s0 =	simm.s32 @!p0 $0x50;
	s23 =	simm.s32 @!p0 $0x50;
	[sflag:s25] =	ssyncset.done $0x0  }
.LBB2_2:
0x4f: {  	[sflag:s25] =	ssyncadd.s32 $0xFFFFEC00;
	s24 =	smov.u32 s1;
	s1 =	sadd.s32 $0xA, s1  }
0x50: {  	[spmem:s4] =	stream.indirect.scatter.add.f32 @!p0 [tilespmem:s2], [sflag:$0x2], $0x8, s23, s23, $0xb8;
	[tilespmem:$0x17668] =	vst v63  }
0x51: {  	p3 =	sne.s32 s1, $0x9C4;
	_ =	swait.ge @!p0 [sflag:s31], $0x280  }
0x52: {  	s23 =	smov.u32 s0;
	[sflag:s31] =	ssyncset.done @!p0 $0x0  }
0x53: {  	s7 =	sadd.s32 s24, s20;
	[sflag:s31] =	ssyncadd.s32 @!p0 $0xFFFFFD80  }
0x54: {  	[tilespmem:s5], [sflag:$0x3] =	stream.linear.gather [hbm4b:s7+s5], $0x50, $0x38;
	[tilespmem:$0x17668] =	vst v63  }
0x55: {  	_ =	swait.ge [sflag:s25], $0x50  }
0x56: {  	[sflag:s25] =	ssyncset.done $0x0  }
0x57: {  	s7 =	sadd.s32 s24, s19;
	[sflag:s25] =	ssyncadd.s32 $0xFFFFFFB0  }
0x58: {  	[tilespmem:s26], [sflag:$0x3] =	stream.linear.gather [hbm4b:s7+s5], $0x50, $0x38;
	[tilespmem:$0x17668] =	vst v63  }
0x59: {  	_ =	swait.ge [sflag:s25], $0x50  }
0x5a: {  	[sflag:s25] =	ssyncset.done $0x0  }
0x5b: {  	[sflag:s25] =	ssyncadd.s32 $0xFFFFFFB0  }
0x5c: {  	v1 =	vld [tilespmem:$0x40]  }
0x5d: {  	v2 =	vld [tilespmem:$0x0]  }
0x5e: {  	v3 =	vld [tilespmem:$0x30]  }
0x5f: {  	v4 =	vld [tilespmem:$0x20]  }
0x60: {  	v5 =	vld [tilespmem:$0x10]  }
0x61: {  	v1 =	vadd.s32 v0, v1  }
0x62: {  	v2 =	vadd.s32 v0, v2;
	[tilespmem:$0x40] =	vst v1  }
0x63: {  	[tilespmem:$0x0] =	vst v2;
	v1 =	vadd.s32 v0, v3  }
0x64: {  	v2 =	vadd.s32 v0, v4;
	[tilespmem:$0x30] =	vst v1  }
0x65: {  	v1 =	vadd.s32 v0, v5;
	[tilespmem:$0x20] =	vst v2  }
0x66: {  	[tilespmem:$0x10] =	vst v1  }
0x67: {  	[tilespmem:s28], [sflag:$0x1] =	stream.indirect.gather [hbm4b:s6+s26], $0x40, s5, s26, $0xb8;
	[tilespmem:$0x17668] =	vst v63  }
0x68: {  	_ =	swait.ge [sflag:s29], $0x1400  }
.Ltmp0:
0x69: {  	[sflag:s29] =	ssyncset.done $0x0;
	(pc) =	sbr.rel @p3 .LBB2_2-.Ltmp0, $4  }
0x6a: {  	[sflag:s29] =	ssyncadd.s32 $0xFFFFEC00  }
0x6b: {  	[spmem:s3] =	stream.indirect.scatter.add.f32 [tilespmem:s28], [sflag:$0x3], $0x40, s26, s26, $0xb8;
	[tilespmem:$0x17668] =	vst v63  }
0x6c: {  	_ =	swait.ge [sflag:s25], $0x1400  }
0x6d: {  	[sflag:s25] =	ssyncset.done $0x0  }
0x6e: {  	[sflag:s25] =	ssyncadd.s32 $0xFFFFEC00  }
0x6f: {  	[spmem:s4] =	stream.indirect.scatter.add.f32 @!p0 [tilespmem:s2], [sflag:$0x2], $0x8, s23, s23, $0xb8;
	[tilespmem:$0x17668] =	vst v63  }
0x70: {  	_ =	swait.ge @!p0 [sflag:s31], $0x280  }
0x71: {  	[sflag:s31] =	ssyncset.done @!p0 $0x0  }
0x72: {  	[sflag:s31] =	ssyncadd.s32 @!p0 $0xFFFFFD80  }
0x73: {  	[bflag:$0x0] =	sbarrier.arrive $0xFFFF  }
0x74: {  	[tilespmem:s21], [sflag:$0x2] =	stream.linear.gather [spmem:s9], $0x9C00, $0x38;
	[tilespmem:$0x17668] =	vst v63  }
0x75: {  	_ =	swait.ge [sflag:s22], $0x9C00  }
0x76: {  	[sflag:s22] =	ssyncset.done $0x0  }
0x77: {  	[sflag:s22] =	ssyncadd.s32 $0xFFFF6400  }
0x78: {  	[hbm4b:s13+s5] =	stream.linear.scatter [tilespmem:s21], [sflag:$0x2], $0x9C00, $0x38;
	[tilespmem:$0x17668] =	vst v63  }
0x79: {  	_ =	swait.ge [sflag:s22], $0x9C00  }
0x7a: {  	[sflag:s22] =	ssyncset.done $0x0  }
0x7b: {  	s0 =	simm.s32 @!p0 $0x14F60;
	s1 =	simm.s32 @!p0 $0x2;
	[sflag:s22] =	ssyncadd.s32 $0xFFFF6400  }
0x7c: {  	[tilespmem:s0], [sflag:$0x2] =	stream.linear.gather @!p0 [spmem:s14], $0x1380, $0x38;
	[tilespmem:$0x17668] =	vst v63  }
0x7d: {  	_ =	swait.ge @!p0 [sflag:s1], $0x1380  }
0x7e: {  	[sflag:s1] =	ssyncset.done @!p0 $0x0  }
0x7f: {  	s2 =	simm.s32 @!p0 $0x0;
	[sflag:s1] =	ssyncadd.s32 @!p0 $0xFFFFEC80  }
0x80: {  	[hbm4b:s15+s2] =	stream.linear.scatter @!p0 [tilespmem:s0], [sflag:$0x2], $0x1380, $0x38;
	[tilespmem:$0x17668] =	vst v63  }
0x81: {  	_ =	swait.ge @!p0 [sflag:s1], $0x1380  }
0x82: {  	[sflag:s1] =	ssyncset.done @!p0 $0x0  }
0x83: {  	s0 =	simm.s32 @!p1 $0x14A0;
	[sflag:s1] =	ssyncadd.s32 @!p0 $0xFFFFEC80;
	s1 =	simm.s32 @!p1 $0x2  }
0x84: {  	[tilespmem:s0], [sflag:$0x2] =	stream.linear.gather @!p1 [spmem:s11], $0x400, $0x38;
	[tilespmem:$0x17668] =	vst v63  }
0x85: {  	_ =	swait.ge @!p1 [sflag:s1], $0x400  }
0x86: {  	[sflag:s1] =	ssyncset.done @!p1 $0x0  }
0x87: {  	s2 =	simm.s32 @!p1 $0x0;
	[sflag:s1] =	ssyncadd.s32 @!p1 $0xFFFFFC00  }
0x88: {  	[hbm4b:s16+s2] =	stream.linear.scatter @!p1 [tilespmem:s0], [sflag:$0x2], $0x400, $0x38;
	[tilespmem:$0x17668] =	vst v63  }
0x89: {  	_ =	swait.ge @!p1 [sflag:s1], $0x400  }
0x8a: {  	[sflag:s1] =	ssyncset.done @!p1 $0x0  }
0x8b: {  	s0 =	simm.s32 @!p2 $0x14F60;
	[sflag:s1] =	ssyncadd.s32 @!p1 $0xFFFFFC00;
	s1 =	simm.s32 @!p2 $0x2  }
0x8c: {  	[tilespmem:s0], [sflag:$0x2] =	stream.linear.gather @!p2 [spmem:s12], $0x80, $0x38;
	[tilespmem:$0x17668] =	vst v63  }
0x8d: {  	s30 =	sadd.s32 $0x1, s30;
	_ =	swait.ge @!p2 [sflag:s1], $0x80  }
0x8e: {  	p3 =	sne.s32 s30, s18;
	[sflag:s1] =	ssyncset.done @!p2 $0x0  }
.Ltmp1:
0x8f: {  	s2 =	simm.s32 @!p2 $0x0;
	[sflag:s1] =	ssyncadd.s32 @!p2 $0xFFFFFF80;
	(pc) =	sbr.rel @p3 .LBB2_1-.Ltmp1, $4  }
0x90: {  	[hbm4b:s17+s2] =	stream.linear.scatter @!p2 [tilespmem:s0], [sflag:$0x2], $0x80, $0x38;
	[tilespmem:$0x17668] =	vst v63  }
0x91: {  	_ =	swait.ge @!p2 [sflag:s1], $0x80  }
0x92: {  	[sflag:s1] =	ssyncset.done @!p2 $0x0  }
0x93: {  	[sflag:s1] =	ssyncadd.s32 @!p2 $0xFFFFFF80  }
0x94: {  	_ =	sfence.sel $0x180000  }
0x95: {  	[bflag:$0x0] =	sbarrier.arrive $0xFFFF  }
0x96: {  	_ =	strace $0x90000047  }
0x97: {  	s0 =	stileid.u32;
	[bflag:$0x2] =	sbarrier.arrive $0xFFFF  }
0x98: {  	p0 =	sne.s32 s0, $0x0;
	s0 =	rddreg [dreg:$0x4]  }
0x99: {  	s0 =	sadd.s32 @!p0 $0x100000, s0  }
0x9a: {  	[sflag:s0] =	ssyncadd.tile.s32 @!p0 $0x1;
	_ =	shalt  }
.Lfunc_end2:
_tile_overlayer_lowered:
.L_overlay_start_2:
0x9b: {  	(tag) =	ssettag $0x2  }
0x9c: {  	s0 =	rddreg [dreg:$0x0];
	s2 =	stileid.u32  }
0x9d: {  	s1 =	rddreg [dreg:$0x1];
	p0 =	sne.s32 s2, $0x0  }
0x9e: {  	s3 =	rddreg [dreg:$0x2];
	[bflag:$0x3] =	sbarrier.arrive $0xFFFF;
	s2 =	simm.s32 @!p0 $0x1C02  }
0x9f: {  	[timem:s3], [sflag:s2] =	dma.local @!p0 [hbm:s0], s1  }
0xa0: {  	s0 =	simm.s32 @!p0 $0x2  }
0xa1: {  	_ =	swait.ge @!p0 [sflag:s0], s1  }
0xa2: {  	s1 =	ssub.s32 @!p0 $0x0, s1;
	[sflag:s0] =	ssyncset.done @!p0 $0x0  }
0xa3: {  	[sflag:s0] =	ssyncadd.s32 @!p0 s1  }
0xa4: {  	[bflag:$0x3] =	sbarrier.arrive $0xFFFF  }
0xa5: {  	_ =	shalt  }

// kernel: kernel.9.cloned.1.call-start
scs
__scs_entry_jumppad:
0x0: {  	(pc) =	sbr.rel $0x88, $3  }
0x1: {  	(tag) =	ssettag $0x0;
	lr =	simm.s32 $0x1  }
0x2: {  	[smem:$0x3F94] =	sst lr;
	_ =	strace $0xD0000000  }
0x3: {  	_ = 	snop  }
0x4: {  	_ = 	snop  }
0x5: {  	_ = 	snop  }
0x6: {  	_ = 	snop  }
0x7: {  	_ = 	snop  }
__scs_overlays_trampoline_lowered:
0x8: {  	[smem:$0x3FA3] =	sst s0  }
0x9: {  	[smem:$0x3FA4] =	sst s1  }
0xa: {  	[smem:$0x3FA5] =	sst s2  }
0xb: {  	[smem:$0x3FA6] =	sst s3  }
0xc: {  	[smem:$0x3FA7] =	sst s4  }
0xd: {  	[smem:$0x3FA8] =	sst s5  }
0xe: {  	[smem:$0x3FA9] =	sst s6  }
0xf: {  	[smem:$0x3FAA] =	sst s7  }
0x10: {  	[smem:$0x3FAB] =	sst s8  }
0x11: {  	[smem:$0x3FAC] =	sst s9;
	s0 =	simm.s32 @!p0 $0x0  }
0x12: {  	s1 =	sld [smem:$0x3F92];
	s0 =	simm.s32 @p0 $0x1  }
0x13: {  	[smem:$0x3FAD] =	sst s0;
	s0 =	simm.s32 @!p1 $0x0  }
0x14: {  	s2 =	sld [smem:$0x3F91];
	s0 =	simm.s32 @p1 $0x1  }
0x15: {  	[smem:$0x3FAE] =	sst s0;
	s0 =	simm.s32 @!p2 $0x0  }
0x16: {  	s3 =	sld [smem:$0x3FDB];
	s0 =	simm.s32 @p2 $0x1  }
0x17: {  	s4 =	simm.s32 $0x1BF5;
	[smem:$0x3FB0] =	sst s0  }
0x18: {  	s0 =	sld [smem:$0x3F93];
	_ =	swait.ge [sflag:s4], $0x0  }
0x19: {  	s7 =	sld [smem:$0x3F94]  }
0x1a: {  	s8 =	sadd.s32 $0xFFFFE003, lr  }
0x1b: {  	s9 =	sadd.s32 $0xFFFFFEF7, lr;
	s5 =	simm.s32 $0xFFFFFFFF;
	p2 =	slt.u32 s8, $0xFFFFF086  }
0x1c: {  	p1 =	slt.u32 s9, $0xF7A;
	s5 =	simm.s32 @!p2 $0x0  }
0x1d: {  	s5 =	simm.s32 @p1 $0x1;
	p0 =	seq.s32 s7, s2  }
0x1e: {  	s7 =	smul.u32 @!p0 $0xF7A, s2;
	p2 =	seq.s32 @!p0 s5, $0x0  }
0x1f: {  	s9 =	smul.u32 $0xF7A, s1;
	s8 =	simm.s32 @!p0 $0x1BF5;
	p2 =	por !p2, p0  }
0x20: {  	[sflag:s8] =	ssyncset.s32 @!p0 $0xFFFFF086;
	s6 =	sadd.s32 @!p0 s3, s7;
	s7 =	simm.s32 @!p0 $0x108  }
0x21: {  	s3 =	sadd.s32 s3, s9;
	s6 =	sadd.s32 @!p0 $0x88, s6;
	s7 =	simm.s32 @p2 $0x1082  }
0x22: {  	[simem:s7], [sflag:s8] =	dma.local @!p0 [hbm:s6], $0xF7A  }
0x23: {  	s9 =	sor.u32 $0xD0000000, s2;
	s6 =	simm.s32 $0x108;
	_ =	swait.ge @!p0 [sflag:s8], $0x0  }
0x24: {  	s3 =	sadd.s32 $0x88, s3;
	s6 =	simm.s32 @!p1 $0x1082;
	[sflag:s4] =	ssyncset.s32 $0xFFFFF086  }
0x25: {  	[simem:s6], [sflag:s4] =	dma.local [hbm:s3], $0xF7A  }
0x26: {  	[smem:$0x3F94] =	sst s1;
	(tag) =	ssettag s2;
	_ =	strace s9  }
0x27: {  	s1 =	sld [smem:$0x3FA4]  }
0x28: {  	s2 =	sld [smem:$0x3FA5]  }
0x29: {  	s4 =	sld [smem:$0x3FA7]  }
0x2a: {  	p0 =	seq.s32 s5, $0x0;
	s5 =	sld [smem:$0x3FA8]  }
0x2b: {  	s6 =	sld [smem:$0x3FA9]  }
0x2c: {  	s7 =	sld [smem:$0x3FAA]  }
0x2d: {  	s3 =	simm.s32 $0x108;
	s8 =	sld [smem:$0x3FAB]  }
0x2e: {  	s3 =	simm.s32 @!p0 $0x1082;
	s9 =	sld [smem:$0x3FAC]  }
0x2f: {  	lr =	sadd.s32 s0, s3;
	s0 =	sld [smem:$0x3FA3]  }
0x30: {  	s3 =	sld [smem:$0x3FA6]  }
0x31: {  	[smem:$0x3FAF] =	sst s10  }
0x32: {  	s10 =	sld [smem:$0x3FAD];
	_ =	sdelay $0x3  }
0x33: {  	p0 =	seq.s32 s10, $0x1;
	s10 =	sld [smem:$0x3FAF];
	_ =	sdelay $0x3  }
0x34: {  	[smem:$0x3FAF] =	sst s10  }
0x35: {  	s10 =	sld [smem:$0x3FAE];
	_ =	sdelay $0x3  }
0x36: {  	p1 =	seq.s32 s10, $0x1;
	s10 =	sld [smem:$0x3FAF];
	_ =	sdelay $0x3  }
0x37: {  	[smem:$0x3FAF] =	sst s10  }
0x38: {  	s10 =	sld [smem:$0x3FB0]  }
0x39: {  	_ = 	snop;
	(pc) =	sbr.ind lr, $3  }
0x3a: {  	_ = 	snop  }
0x3b: {  	_ = 	snop  }
0x3c: {  	p2 =	seq.s32 s10, $0x1;
	s10 =	sld [smem:$0x3FAF]  }
0x3d: {  	_ =	shalt  }
0x3e: {  	_ =	shalt  }
0x3f: {  	_ =	shalt  }
0x40: {  	_ =	shalt  }
0x41: {  	_ =	shalt  }
0x42: {  	_ =	shalt  }
0x43: {  	_ =	shalt  }
0x44: {  	_ =	shalt  }
0x45: {  	_ =	shalt  }
0x46: {  	_ =	shalt  }
0x47: {  	_ =	shalt  }
0x48: {  	_ =	shalt  }
0x49: {  	_ =	shalt  }
0x4a: {  	_ =	shalt  }
0x4b: {  	_ =	shalt  }
0x4c: {  	_ =	shalt  }
0x4d: {  	_ =	shalt  }
0x4e: {  	_ =	shalt  }
0x4f: {  	_ =	shalt  }
0x50: {  	_ =	shalt  }
0x51: {  	_ =	shalt  }
0x52: {  	_ =	shalt  }
0x53: {  	_ =	shalt  }
0x54: {  	_ =	shalt  }
0x55: {  	_ =	shalt  }
0x56: {  	_ =	shalt  }
0x57: {  	_ =	shalt  }
0x58: {  	_ =	shalt  }
0x59: {  	_ =	shalt  }
0x5a: {  	_ =	shalt  }
0x5b: {  	_ =	shalt  }
0x5c: {  	_ =	shalt  }
0x5d: {  	_ =	shalt  }
0x5e: {  	_ =	shalt  }
0x5f: {  	_ =	shalt  }
0x60: {  	_ =	shalt  }
0x61: {  	_ =	shalt  }
0x62: {  	_ =	shalt  }
0x63: {  	_ =	shalt  }
0x64: {  	_ =	shalt  }
0x65: {  	_ =	shalt  }
0x66: {  	_ =	shalt  }
0x67: {  	_ =	shalt  }
0x68: {  	_ =	shalt  }
0x69: {  	_ =	shalt  }
0x6a: {  	_ =	shalt  }
0x6b: {  	_ =	shalt  }
0x6c: {  	_ =	shalt  }
0x6d: {  	_ =	shalt  }
0x6e: {  	_ =	shalt  }
0x6f: {  	_ =	shalt  }
0x70: {  	_ =	shalt  }
0x71: {  	_ =	shalt  }
0x72: {  	_ =	shalt  }
0x73: {  	_ =	shalt  }
0x74: {  	_ =	shalt  }
0x75: {  	_ =	shalt  }
0x76: {  	_ =	shalt  }
0x77: {  	_ =	shalt  }
0x78: {  	_ =	shalt  }
0x79: {  	_ =	shalt  }
0x7a: {  	_ =	shalt  }
0x7b: {  	_ =	shalt  }
0x7c: {  	_ =	shalt  }
0x7d: {  	_ =	shalt  }
0x7e: {  	_ =	shalt  }
0x7f: {  	_ =	shalt  }
0x80: {  	_ =	shalt  }
0x81: {  	_ =	shalt  }
0x82: {  	_ =	shalt  }
0x83: {  	_ =	shalt  }
0x84: {  	_ =	shalt  }
0x85: {  	_ =	shalt  }
0x86: {  	_ =	shalt  }
0x87: {  	_ =	shalt  }
.Lfunc_end0:
.L_simem_size_0:
called_computation.1_lowered:
.L_overlay_start_0:
0x88: {  	s2 =	sld [smem:$0x3FD9]  }
0x89: {  	s3 =	sld [smem:$0x3FFE];
	_ =	sdelay $0x1  }
0x8a: {  	s1 =	srdreg.scid  }
0x8b: {  	s0 =	sand.u32 $0x1, s1  }
0x8c: {  	s16 =	sshll.u32 s0, $0xA;
	s2 =	sadd.s32 s3, s2  }
0x8d: {  	s2 =	sadd.s32 s2, s16  }
0x8e: {  	[smem:$0x3FBB] =	sst s2  }
0x8f: {  	_ = 	snop  }
0x90: {  	(tm) =	ssettm $0x1  }
0x91: {  	s17 =	sld [smem:$0x3FFB];
	_ =	sdelay $0x3  }
0x92: {  	_ =	strace s17  }
0x93: {  	s2 =	sld [smem:$0x3FFC];
	_ =	sdelay $0x3  }
0x94: {  	_ =	strace s2  }
0x95: {  	s2 =	sld [smem:$0x3FFD];
	_ =	sdelay $0x3  }
0x96: {  	_ =	strace s2  }
0x97: {  	_ =	strace $0x8FFFFFFF  }
0x98: {  	s18 =	sld [smem:$0x3FDB];
	_ =	sdelay $0x1  }
0x99: {  	s19 =	simm.s32 $_scs_section_size  }
0x9a: {  	s4 =	simm.s32 $_size__tile_overlayer_lowered;
	s5 =	simm.s32 $_tile_overlayer_lowered  }
0x9b: {  	s22 =	simm.s32 $0x1BFF;
	s21 =	sshll.u32 s5, $0x1;
	s2 =	sadd.s32 s19, s18  }
0x9c: {  	s6 =	simm.s32 $0x0;
	s20 =	sshll.u32 s4, $0x1;
	s4 =	sadd.s32 s21, s2  }
0x9d: {  	[timem:s6], [sflag:s22] =	dma.local [hbm:s4], s20  }
0x9e: {  	_ =	swait.ge [sflag:s22], s20  }
0x9f: {  	s3 =	ssub.s32 $0x0, s20;
	[sflag:s22] =	ssyncset.done $0x0  }
0xa0: {  	[sflag:s22] =	ssyncadd.s32 s3;
	_ =	sdelay $0x1  }
0xa1: {  	s23 =	simm.s32 $0x1B8B  }
0xa2: {  	_ =	swait.ge [sflag:s23], $0x1  }
0xa3: {  	[sflag:s23] =	ssyncset.done $0x0  }
0xa4: {  	s25 =	simm.s32 $0x1B8E;
	s24 =	sld [smem:$0x3FFE];
	[sflag:s23] =	ssyncadd.s32 $0xFFFFFFFF  }
0xa5: {  	s26 =	simm.s32 $execute0_lowered;
	[smem:$0x3FD2] =	sst s25  }
0xa6: {  	s4 =	sshll.u32 s26, $0x1;
	_ =	strace $0x80000049;
	[dreg:$0x1] =	wrdreg $0xFFFFFFFF  }
0xa7: {  	s28 =	simm.s32 $_size_execute0_lowered;
	s2 =	sadd.s32 s2, s4;
	[dreg:$0x0] =	wrdreg $0x0  }
0xa8: {  	s4 =	sshll.u32 s28, $0x1;
	[dreg:$0x2] =	wrdreg s2  }
0xa9: {  	[dreg:$0x3] =	wrdreg s4  }
0xaa: {  	[dreg:$0x4] =	wrdreg $0xC0  }
0xab: {  	_ =	task [dreg:s6], $0x5FFFF  }
0xac: {  	[dreg:$0x1] =	wrdreg $0xFFFFFFFF  }
0xad: {  	[dreg:$0x0] =	wrdreg $0x60  }
0xae: {  	[dreg:$0x2] =	wrdreg s24  }
0xaf: {  	[dreg:$0x3] =	wrdreg $0xB0A00  }
0xb0: {  	[dreg:$0x4] =	wrdreg $0x9  }
0xb1: {  	_ =	task.clear_ibuf [dreg:s6], $0x5FFFF;
	_ =	strace $0x90000049  }
0xb2: {  	s29 =	simm.s32 $0x9;
	_ =	strace $0x8000004B  }
0xb3: {  	_ =	swait.ge [sflag:s29], $0x1  }
0xb4: {  	[sflag:s29] =	ssyncadd.s32 $0xFFFFFFFF  }
0xb5: {  	_ =	strace $0x9000004B  }
0xb6: {  	_ =	sfence  }
0xb7: {  	s30 =	sld [smem:$0x0];
	_ =	sdelay $0x2  }
0xb8: {  	s31 =	sshll.u32 s1, $0xD;
	s1 =	sshrl.u32 s1, $0x2  }
0xb9: {  	s3 =	sand.u32 $0x4000, s31;
	s1 =	sadd.s32 s1, s30  }
0xba: {  	s0 =	sor.u32 s3, s0;
	s1 =	sshll.u32 s1, $0x11  }
0xbb: {  	s0 =	sor.u32 s1, s0  }
0xbc: {  	s0 =	sadd.s32 $0x8F2B, s0  }
0xbd: {  	[sflag:s0] =	ssyncadd.remote.s32 $0x1  }
0xbe: {  	_ =	sfence.sel $0xFFFF  }
0xbf: {  	[dreg:$0x0] =	wrdreg $0xFFFFFFFF;
	(pc) =	sbr.abs _section_cstart, $3  }
0xc0: {  	[dreg:$0x1] =	wrdreg $0xFFFFFFFF  }
0xc1: {  	_ =	task.clear_ibuf [dreg:s6], $0x2FFFF;
	_ =	strace $0x9FFFFFFF  }
0xc2: {  	(tm) =	ssettm $0x7FFFFFFF  }
0xc3: {  	_ =	shalt  }
tec
execute0_lowered:
.L_overlay_start_1:
0x0: {  	(tag) =	ssettag $0x1  }
0x1: {  	s6 =	rddreg [dreg:$0x0]  }
0x2: {  	s2 =	rddreg [dreg:$0x1]  }
0x3: {  	s0 =	rddreg [dreg:$0x2];
	s3 =	simm.s32 $0x0  }
0x4: {  	s1 =	stileid.u32;
	s7 =	srdreg.scid;
	s14 =	simm.s32 $0x2  }
0x5: {  	s15 =	simm.s32 $0x50;
	s17 =	simm.s32 $0x1;
	s5 =	smul.u32 $0x9C4, s1  }
0x6: {  	s18 =	simm.s32 $0x0;
	[smem:$0x7FF] =	sst s3;
	s8 =	smul.u32 $0x270, s1  }
0x7: {  	s4 =	sadd.s32 $0x2A00, s6;
	s7 =	sand.u32 $0x1, s7;
	s9 =	smul.u32 $0x27000, s1  }
0x8: {  	s13 =	sadd.s32 $0x8D000, s6;
	p0 =	sne.s32 s1, $0xF;
	s16 =	smul.u32 $0x2710, s7  }
0x9: {  	_ =	strace $0x8000004A;
	s10 =	ssub.s32 $0x2, s7;
	s7 =	smul.u32 $0x9C400, s7  }
0xa: {  	s12 =	sadd.s32 s5, s6;
	s11 =	sshrl.u32 s10, $0x1;
	s30 =	sshrl.u32 s9, $0x2  }
0xb: {  	s5 =	sadd.s32 $0x3D800, s6;
	s10 =	ssub.s32 s10, s11;
	s6 =	sadd.s32 s30, s2  }
0xc: {  	s8 =	sadd.s32 s8, s16;
	s31 =	sshrl.u32 s7, $0x3;
	s7 =	sadd.s32 $0x9C000, s2  }
0xd: {  	s11 =	sadd.s32 $0x29C00, s12;
	s12 =	sadd.s32 $0x33A00, s12;
	v0 =	vmov s16;
	s16 =	simm.s32 $0xA0  }
0xe: {  	s8 =	sshll.u32 s8, $0x3;
	s9 =	sadd.s32 s13, s31;
	s10 =	smax.u32 s10, $0x1  }
0xf: {  	s8 =	sadd.s32 s13, s8;
	s9 =	sadd.s32 $0x13800, s9;
	s13 =	simm.s32 $0x14A0  }
.LBB2_1:
0x10: {  	[tilespmem:s13], [sflag:$0x2] =	stream.linear.gather [hbm4b:s5+s3], $0x9C00, $0x38;
	[tilespmem:$0x14CE0] =	vst v63  }
0x11: {  	_ =	swait.ge [sflag:s14], $0x9C00  }
0x12: {  	[sflag:s14] =	ssyncset.done $0x0  }
0x13: {  	[sflag:s14] =	ssyncadd.s32 $0xFFFF6400  }
0x14: {  	[spmem:s6] =	stream.linear.scatter [tilespmem:s13], [sflag:$0x2], $0x9C00, $0x38;
	[tilespmem:$0x14CE0] =	vst v63  }
0x15: {  	_ =	swait.ge [sflag:s14], $0x9C00  }
0x16: {  	[sflag:s14] =	ssyncset.done $0x0  }
0x17: {  	s19 =	simm.s32 @!p0 $0x14A0;
	[sflag:s14] =	ssyncadd.s32 $0xFFFF6400  }
0x18: {  	[spmem:s7] =	stream.linear.scatter @!p0 [tilespmem:s19], [sflag:$0x2], $0x400, $0x38;
	[tilespmem:$0x14CE0] =	vst v63  }
0x19: {  	s19 =	simm.s32 @!p0 $0x2  }
0x1a: {  	_ =	swait.ge @!p0 [sflag:s19], $0x400  }
0x1b: {  	[sflag:s19] =	ssyncset.done @!p0 $0x0  }
0x1c: {  	[sflag:s19] =	ssyncadd.s32 @!p0 $0xFFFFFC00  }
0x1d: {  	s30 =	sadd.s32 $0x0, s12;
	[bflag:$0x0] =	sbarrier.arrive $0xFFFF  }
0x1e: {  	[tilespmem:s3], [sflag:$0x2] =	stream.linear.gather [hbm4b:s30+s3], $0x50, $0x38;
	[tilespmem:$0x14CE0] =	vst v63  }
0x1f: {  	_ =	swait.ge [sflag:s14], $0x50  }
0x20: {  	[sflag:s14] =	ssyncset.done $0x0  }
0x21: {  	s31 =	sadd.s32 $0x0, s11;
	[sflag:s14] =	ssyncadd.s32 $0xFFFFFFB0  }
0x22: {  	[tilespmem:s15], [sflag:$0x2] =	stream.linear.gather [hbm4b:s31+s3], $0x50, $0x38;
	[tilespmem:$0x14CE0] =	vst v63  }
0x23: {  	_ =	swait.ge [sflag:s14], $0x50  }
0x24: {  	[sflag:s14] =	ssyncset.done $0x0  }
0x25: {  	[sflag:s14] =	ssyncadd.s32 $0xFFFFFFB0  }
0x26: {  	v1 =	vld [tilespmem:$0x40]  }
0x27: {  	v2 =	vld [tilespmem:$0x20]  }
0x28: {  	v3 =	vld [tilespmem:$0x30]  }
0x29: {  	v4 =	vld [tilespmem:$0x10]  }
0x2a: {  	v5 =	vld [tilespmem:$0x0]  }
0x2b: {  	v1 =	vadd.s32 v0, v1  }
0x2c: {  	v2 =	vadd.s32 v0, v2;
	[tilespmem:$0x40] =	vst v1  }
0x2d: {  	[tilespmem:$0x20] =	vst v2;
	v1 =	vadd.s32 v0, v3  }
0x2e: {  	v2 =	vadd.s32 v0, v4;
	[tilespmem:$0x30] =	vst v1  }
0x2f: {  	v1 =	vadd.s32 v0, v5;
	[tilespmem:$0x10] =	vst v2  }
0x30: {  	[tilespmem:$0x0] =	vst v1  }
0x31: {  	[tilespmem:s16], [sflag:$0x1] =	stream.indirect.gather [hbm4b:s4+s15], $0x40, s3, s15, $0xb8;
	[tilespmem:$0x14CE0] =	vst v63  }
0x32: {  	_ =	swait.ge [sflag:s17], $0x1400  }
0x33: {  	s19 =	simm.s32 $0xA;
	[sflag:s17] =	ssyncset.done $0x0  }
.LBB2_2:
0x34: {  	p1 =	sne.s32 s19, $0x9BA  }
0x35: {  	[sflag:s17] =	ssyncadd.s32 $0xFFFFEC00;
	s20 =	smov.u32 s19;
	s19 =	sadd.s32 $0xA, s19  }
0x36: {  	[spmem:s2] =	stream.indirect.scatter.add.f32 [tilespmem:s16], [sflag:$0x2], $0x40, s15, s15, $0xb8;
	[tilespmem:$0x14CE0] =	vst v63  }
0x37: {  	_ =	swait.ge [sflag:s14], $0x1400  }
0x38: {  	[sflag:s14] =	ssyncset.done $0x0  }
0x39: {  	s21 =	sadd.s32 s20, s12;
	[sflag:s14] =	ssyncadd.s32 $0xFFFFEC00  }
0x3a: {  	[tilespmem:s3], [sflag:$0x2] =	stream.linear.gather [hbm4b:s21+s3], $0x50, $0x38;
	[tilespmem:$0x14CE0] =	vst v63  }
0x3b: {  	_ =	swait.ge [sflag:s14], $0x50  }
0x3c: {  	[sflag:s14] =	ssyncset.done $0x0  }
0x3d: {  	s20 =	sadd.s32 s20, s11;
	[sflag:s14] =	ssyncadd.s32 $0xFFFFFFB0  }
0x3e: {  	[tilespmem:s15], [sflag:$0x2] =	stream.linear.gather [hbm4b:s20+s3], $0x50, $0x38;
	[tilespmem:$0x14CE0] =	vst v63  }
0x3f: {  	_ =	swait.ge [sflag:s14], $0x50  }
0x40: {  	[sflag:s14] =	ssyncset.done $0x0  }
0x41: {  	[sflag:s14] =	ssyncadd.s32 $0xFFFFFFB0  }
0x42: {  	v1 =	vld [tilespmem:$0x40]  }
0x43: {  	v2 =	vld [tilespmem:$0x20]  }
0x44: {  	v3 =	vld [tilespmem:$0x30]  }
0x45: {  	v4 =	vld [tilespmem:$0x10]  }
0x46: {  	v5 =	vld [tilespmem:$0x0]  }
0x47: {  	v1 =	vadd.s32 v0, v1  }
0x48: {  	v2 =	vadd.s32 v0, v2;
	[tilespmem:$0x40] =	vst v1  }
0x49: {  	[tilespmem:$0x20] =	vst v2;
	v1 =	vadd.s32 v0, v3  }
0x4a: {  	v2 =	vadd.s32 v0, v4;
	[tilespmem:$0x30] =	vst v1  }
.Ltmp0:
0x4b: {  	v1 =	vadd.s32 v0, v5;
	[tilespmem:$0x10] =	vst v2;
	(pc) =	sbr.rel @p1 .LBB2_2-.Ltmp0, $4  }
0x4c: {  	[tilespmem:$0x0] =	vst v1  }
0x4d: {  	[tilespmem:s16], [sflag:$0x1] =	stream.indirect.gather [hbm4b:s4+s15], $0x40, s3, s15, $0xb8;
	[tilespmem:$0x14CE0] =	vst v63  }
0x4e: {  	_ =	swait.ge [sflag:s17], $0x1400  }
0x4f: {  	[sflag:s17] =	ssyncset.done $0x0  }
0x50: {  	[sflag:s17] =	ssyncadd.s32 $0xFFFFEC00  }
0x51: {  	[spmem:s2] =	stream.indirect.scatter.add.f32 [tilespmem:s16], [sflag:$0x2], $0x40, s15, s15, $0xb8;
	[tilespmem:$0x14CE0] =	vst v63  }
0x52: {  	_ =	swait.ge [sflag:s14], $0x1400  }
0x53: {  	[sflag:s14] =	ssyncset.done $0x0  }
0x54: {  	[sflag:s14] =	ssyncadd.s32 $0xFFFFEC00  }
0x55: {  	[bflag:$0x0] =	sbarrier.arrive $0xFFFF  }
0x56: {  	[tilespmem:s13], [sflag:$0x2] =	stream.linear.gather [spmem:s6], $0x9C00, $0x38;
	[tilespmem:$0x14CE0] =	vst v63  }
0x57: {  	_ =	swait.ge [sflag:s14], $0x9C00  }
0x58: {  	[sflag:s14] =	ssyncset.done $0x0  }
0x59: {  	[sflag:s14] =	ssyncadd.s32 $0xFFFF6400  }
0x5a: {  	[hbm4b:s8+s3] =	stream.linear.scatter [tilespmem:s13], [sflag:$0x2], $0x9C00, $0x38;
	[tilespmem:$0x14CE0] =	vst v63  }
0x5b: {  	_ =	swait.ge [sflag:s14], $0x9C00  }
0x5c: {  	[sflag:s14] =	ssyncset.done $0x0  }
0x5d: {  	s19 =	simm.s32 @!p0 $0x14A0;
	s20 =	simm.s32 @!p0 $0x2;
	[sflag:s14] =	ssyncadd.s32 $0xFFFF6400  }
0x5e: {  	[tilespmem:s19], [sflag:$0x2] =	stream.linear.gather @!p0 [spmem:s7], $0x400, $0x38;
	[tilespmem:$0x14CE0] =	vst v63  }
0x5f: {  	s18 =	sadd.s32 $0x1, s18;
	_ =	swait.ge @!p0 [sflag:s20], $0x400  }
0x60: {  	p1 =	sne.s32 s18, s10;
	[sflag:s20] =	ssyncset.done @!p0 $0x0  }
.Ltmp1:
0x61: {  	s21 =	simm.s32 @!p0 $0x0;
	[sflag:s20] =	ssyncadd.s32 @!p0 $0xFFFFFC00;
	(pc) =	sbr.rel @p1 .LBB2_1-.Ltmp1, $4  }
0x62: {  	[hbm4b:s9+s21] =	stream.linear.scatter @!p0 [tilespmem:s19], [sflag:$0x2], $0x400, $0x38;
	[tilespmem:$0x14CE0] =	vst v63  }
0x63: {  	_ =	swait.ge @!p0 [sflag:s20], $0x400  }
0x64: {  	[sflag:s20] =	ssyncset.done @!p0 $0x0  }
0x65: {  	[sflag:s20] =	ssyncadd.s32 @!p0 $0xFFFFFC00  }
0x66: {  	_ =	sfence.sel $0x180000  }
0x67: {  	[bflag:$0x0] =	sbarrier.arrive $0xFFFF  }
0x68: {  	p0 =	sne.s32 s1, $0x0;
	_ =	strace $0x9000004A  }
0x69: {  	s0 =	sadd.s32 @!p0 $0x100000, s0;
	[bflag:$0x2] =	sbarrier.arrive $0xFFFF  }
0x6a: {  	[sflag:s0] =	ssyncadd.tile.s32 @!p0 $0x1;
	_ =	shalt  }
.Lfunc_end2:
_tile_overlayer_lowered:
.L_overlay_start_2:
0x6b: {  	(tag) =	ssettag $0x2  }
0x6c: {  	s0 =	rddreg [dreg:$0x0];
	s2 =	stileid.u32  }
0x6d: {  	s1 =	rddreg [dreg:$0x1];
	p0 =	sne.s32 s2, $0x0  }
0x6e: {  	s3 =	rddreg [dreg:$0x2];
	[bflag:$0x3] =	sbarrier.arrive $0xFFFF;
	s2 =	simm.s32 @!p0 $0x1C02  }
0x6f: {  	[timem:s3], [sflag:s2] =	dma.local @!p0 [hbm:s0], s1  }
0x70: {  	s0 =	simm.s32 @!p0 $0x2  }
0x71: {  	_ =	swait.ge @!p0 [sflag:s0], s1  }
0x72: {  	s1 =	ssub.s32 @!p0 $0x0, s1;
	[sflag:s0] =	ssyncset.done @!p0 $0x0  }
0x73: {  	[sflag:s0] =	ssyncadd.s32 @!p0 s1  }
0x74: {  	[bflag:$0x3] =	sbarrier.arrive $0xFFFF  }
0x75: {  	_ =	shalt  }

</sc_bundles>
